<compile_context>
chip_gen: v7x
topology: tpu7x:2x2x1
jax: 0.10.2.dev20260603
libtpu: 0.0.44.dev20260713+nightly
codegen_flags: <defaults>
</compile_context>

<pallas_src>
import functools
import math

import jax
import jax.numpy as jnp
import ml_dtypes
import numpy as np
from jax import lax
from jax.experimental import pallas as pl
from jax.experimental.pallas import tpu as pltpu
from jax.experimental.pallas import tpu_sc as plsc

VOCAB = 100000
D_MODEL = 1024
BATCH = 4
SEQ = 8192

NUM_CORES = 2
NUM_SUBCORES = 16
NUM_WORKERS = NUM_CORES * NUM_SUBCORES
S_PER_WORKER = SEQ // NUM_WORKERS
CHUNK = 32
N_CHUNKS = S_PER_WORKER // CHUNK
N_ITEMS = N_CHUNKS * BATCH
LANES = 16
WGROUPS = D_MODEL // (2 * LANES)
PE_WORDS = D_MODEL // 2
NBUF = 3


def _pe_packed():
    pos = np.arange(SEQ, dtype=np.float32)[:, None]
    div = np.exp(
        np.arange(0, D_MODEL, 2, dtype=np.float32)
        * (-math.log(10000.0) / D_MODEL)
    )
    pe = np.zeros((SEQ, D_MODEL), dtype=np.float32)
    pe[:, 0::2] = np.sin(pos * div)
    pe[:, 1::2] = np.cos(pos * div)
    pe *= math.sqrt(D_MODEL)
    u = pe.astype(ml_dtypes.bfloat16).view(np.uint16).astype(np.uint32)
    u = u.reshape(SEQ, WGROUPS, 2, LANES)
    words = (u[:, :, 1, :] << 16) | u[:, :, 0, :]
    return words.reshape(SEQ, PE_WORDS).view(np.int32)


_PE_PACKED = _pe_packed()
_SCALE = math.sqrt(D_MODEL)
_HI_MASK = np.int32(np.uint32(0xFFFF0000).view(np.int32))


@functools.partial(
    pl.kernel,
    out_type=jax.ShapeDtypeStruct((BATCH, SEQ, D_MODEL), jnp.float32),
    mesh=plsc.VectorSubcoreMesh(core_axis_name="c", subcore_axis_name="s"),
    scratch_types=[
        pltpu.VMEM((BATCH, S_PER_WORKER), jnp.int32),
        pltpu.VMEM((CHUNK, PE_WORDS), jnp.int32),
        pltpu.VMEM((CHUNK, D_MODEL), jnp.float32),
        pltpu.VMEM((CHUNK, D_MODEL), jnp.float32),
        pltpu.VMEM((CHUNK, D_MODEL), jnp.float32),
        pltpu.SemaphoreType.DMA,
        pltpu.SemaphoreType.DMA,
        pltpu.SemaphoreType.DMA,
        pltpu.SemaphoreType.DMA,
        pltpu.SemaphoreType.DMA,
        pltpu.SemaphoreType.DMA,
    ],
)
def _emb_lookup(x_hbm, pe_hbm, table_hbm, out_hbm,
                idx_all, pe_v, rows0, rows1, rows2,
                g0, g1, g2, w0, w1, w2):
    wid = lax.axis_index("s") * NUM_CORES + lax.axis_index("c")
    base = wid * S_PER_WORKER
    bufs = ((rows0, g0, w0), (rows1, g1, w1), (rows2, g2, w2))

    def issue_gather(t, rows, gsem):
        idx = idx_all.at[t & 3, pl.ds((t >> 2) * CHUNK, CHUNK)]
        pltpu.async_copy(table_hbm.at[idx], rows, gsem)

    def out_view(t):
        return out_hbm.at[t & 3, pl.ds(base + (t >> 2) * CHUNK, CHUNK)]

    for b in range(BATCH):
        pltpu.sync_copy(x_hbm.at[b, pl.ds(base, S_PER_WORKER)], idx_all.at[b])
    pltpu.sync_copy(pe_hbm.at[pl.ds(base, CHUNK)], pe_v)
    issue_gather(0, rows0, g0)

    def step_fn(step, carry):
        for ph in range(NBUF):
            t = step * NBUF + ph
            rows, gsem, wsem = bufs[ph]
            n_rows, n_gsem, n_wsem = bufs[(ph + 1) % NBUF]

            @pl.when(jnp.logical_and(t >= 2, t + 1 < N_ITEMS))
            def _():
                pltpu.make_async_copy(n_rows, out_view(t - 2), n_wsem).wait()

            @pl.when(t + 1 < N_ITEMS)
            def _():
                issue_gather(t + 1, n_rows, n_gsem)

            @pl.when(t < N_ITEMS)
            def _():
                pltpu.make_async_copy(
                    table_hbm.at[idx_all.at[0, pl.ds(0, CHUNK)]], rows, gsem
                ).wait()

                @plsc.parallel_loop(0, CHUNK * WGROUPS, 1, unroll=4)
                def _(g):
                    r = g >> 5
                    j = g & (WGROUPS - 1)
                    w = pe_v[r, pl.ds(j * LANES, LANES)]
                    lo = lax.bitcast_convert_type(
                        lax.shift_left(w, jnp.int32(16)), jnp.float32)
                    hi = lax.bitcast_convert_type(
                        lax.bitwise_and(w, _HI_MASK), jnp.float32)
                    sl_lo = pl.ds(j * 2 * LANES, LANES)
                    sl_hi = pl.ds(j * 2 * LANES + LANES, LANES)
                    rows[r, sl_lo] = rows[r, sl_lo] * _SCALE + lo
                    rows[r, sl_hi] = rows[r, sl_hi] * _SCALE + hi

                pltpu.async_copy(rows, out_view(t), wsem)

            @pl.when(jnp.logical_and((t & 3) == 3, t + 1 < N_ITEMS))
            def _():
                pltpu.sync_copy(
                    pe_hbm.at[pl.ds(base + ((t + 1) >> 2) * CHUNK, CHUNK)],
                    pe_v,
                )

        return carry

    lax.fori_loop(0, (N_ITEMS + NBUF) // NBUF, step_fn, 0)

    for t in range(N_ITEMS - NBUF, N_ITEMS):
        rows, _, wsem = bufs[t % NBUF]
        pltpu.make_async_copy(rows, out_view(t), wsem).wait()


def kernel(x, table):
    return _emb_lookup(x.astype(jnp.int32), jnp.asarray(_PE_PACKED), table)

# --- scband reference (transcript-rebuilt; emitter-appended) ---
"""Pipeline reference for scband-embedding-71116068487584 (READ-ONLY COPY).

The authoritative reference and input builder live on the scoring server;
editing this copy changes nothing except your own understanding.
"""

import jax, jax.numpy as jnp
import numpy as np
import math

VOCAB = 100000
D_MODEL = 1024
BATCH = 4
SEQ = 8192

def sinusoidal_pe(seq_len, d_model):
    pos = np.arange(seq_len, dtype=np.float32)[:, None]
    div = np.exp(np.arange(0, d_model, 2, dtype=np.float32) * (-math.log(10000.0) / d_model))
    pe = np.zeros((seq_len, d_model), dtype=np.float32)
    pe[:, 0::2] = np.sin(pos * div)
    pe[:, 1::2] = np.cos(pos * div)
    return jnp.asarray(pe)

def setup_inputs(seed: int = 0):
    key = jax.random.key(seed)
    k1, k2 = jax.random.split(key)
    x = jax.random.randint(k1, (BATCH, SEQ), 0, VOCAB)
    table = jax.random.normal(k2, (VOCAB, D_MODEL), dtype=jnp.float32)
    return {"x": x, "table": table}

def reference(x, table):
    # with torch.no_grad(): x = self.embedding(x)  -> stop_gradient around the gather
    emb = jax.lax.stop_gradient(jnp.take(table, x, axis=0))
    # positional_embedding(x): standard additive sinusoidal PE
    pe = sinusoidal_pe(emb.shape[1], emb.shape[2])
    out = (emb + pe[None, :, :]) * math.sqrt(D_MODEL)
    return out

if __name__ == "__main__":
    import jax
    _d = setup_inputs()
    print(jax.jit(kernel)(*tuple(_d.values())))

</pallas_src>

<mosaic_0001>
#map = affine_map<(d0, d1) -> (0, 0)>
#map1 = affine_map<(d0, d1) -> (0, 0, 0)>
module attributes {stable_mosaic.version = 14 : i64} {
  func.func @_emb_lookup(%arg0: i32, %arg1: i32, %arg2: memref<4x8192xi32, #tpu.memory_space<hbm>>, %arg3: memref<8192x512xi32, #tpu.memory_space<hbm>>, %arg4: memref<100000x1024xf32, #tpu.memory_space<hbm>>, %arg5: memref<4x8192x1024xf32, #tpu.memory_space<hbm>>, %arg6: memref<4x256xi32, #tpu.memory_space<vmem>>, %arg7: memref<32x512xi32, #tpu.memory_space<vmem>>, %arg8: memref<32x1024xf32, #tpu.memory_space<vmem>>, %arg9: memref<32x1024xf32, #tpu.memory_space<vmem>>, %arg10: memref<32x1024xf32, #tpu.memory_space<vmem>>, %arg11: memref<!tpu.dma_semaphore, #tpu.memory_space<semaphore_mem>>, %arg12: memref<!tpu.dma_semaphore, #tpu.memory_space<semaphore_mem>>, %arg13: memref<!tpu.dma_semaphore, #tpu.memory_space<semaphore_mem>>, %arg14: memref<!tpu.dma_semaphore, #tpu.memory_space<semaphore_mem>>, %arg15: memref<!tpu.dma_semaphore, #tpu.memory_space<semaphore_mem>>, %arg16: memref<!tpu.dma_semaphore, #tpu.memory_space<semaphore_mem>>) attributes {dimension_semantics = [#tpu.dimension_semantics<core_parallel>, #tpu.dimension_semantics<subcore_parallel>], iteration_bounds = array<i64: 2, 16>, scalar_prefetch = 0 : i64, scratch_operands = 11 : i64, tpu.core_type = #tpu.core_type<sc_vector_subcore>, window_params = [{transform_indices = #map}, {transform_indices = #map}, {transform_indices = #map}, {transform_indices = #map1}]} {
    %mul3A = arith.constant 2 : i32
    %mul3A_0 = arith.muli %arg1, %mul3A : i32
    %add3A = arith.addi %mul3A_0, %arg0 : i32
    %mul3A_1 = arith.constant 256 : i32
    %mul3A_2 = arith.muli %add3A, %mul3A_1 : i32
    %run_scoped3A = arith.constant 0 : i32
    %run_scoped3A_3 = arith.constant 0 : i32
    "tpu.region"() ({
      %run_scoped3A_47 = tpu.sem_alloc : memref<!tpu.dma_semaphore, #tpu.memory_space<semaphore_mem>>
      %dma_start3A_48 = arith.constant 0 : i32
      %dma_start3A_49 = tpu.memref_slice %arg6[%run_scoped3A_3, %dma_start3A_48] : memref<4x256xi32, #tpu.memory_space<vmem>> -> memref<1x256xi32, #tpu.memory_space<vmem>>
      %dma_start3A_50 = tpu.memref_squeeze %dma_start3A_49 : memref<1x256xi32, #tpu.memory_space<vmem>> -> memref<256xi32, #tpu.memory_space<vmem>>
      %dma_start3A_51 = tpu.memref_slice %arg2[%run_scoped3A, %mul3A_2] : memref<4x8192xi32, #tpu.memory_space<hbm>> -> memref<1x256xi32, #tpu.memory_space<hbm>>
      %dma_start3A_52 = tpu.memref_squeeze %dma_start3A_51 : memref<1x256xi32, #tpu.memory_space<hbm>> -> memref<256xi32, #tpu.memory_space<hbm>>
      %dma_start3A_53 = arith.constant 0 : i32
      %dma_start3A_54 = tpu.memref_slice %arg6[%run_scoped3A_3, %dma_start3A_53] : memref<4x256xi32, #tpu.memory_space<vmem>> -> memref<1x256xi32, #tpu.memory_space<vmem>>
      %dma_start3A_55 = tpu.memref_squeeze %dma_start3A_54 : memref<1x256xi32, #tpu.memory_space<vmem>> -> memref<256xi32, #tpu.memory_space<vmem>>
      %dma_start3A_56 = tpu.memref_slice %arg2[%run_scoped3A, %mul3A_2] : memref<4x8192xi32, #tpu.memory_space<hbm>> -> memref<1x256xi32, #tpu.memory_space<hbm>>
      %dma_start3A_57 = tpu.memref_squeeze %dma_start3A_56 : memref<1x256xi32, #tpu.memory_space<hbm>> -> memref<256xi32, #tpu.memory_space<hbm>>
      tpu.enqueue_dma source(%dma_start3A_57 : memref<256xi32, #tpu.memory_space<hbm>>) target(%dma_start3A_55 : memref<256xi32, #tpu.memory_space<vmem>>) target_semaphore(%run_scoped3A_47 : memref<!tpu.dma_semaphore, #tpu.memory_space<semaphore_mem>>)
      %dma_wait3A_58 = arith.constant 0 : i32
      %dma_wait3A_59 = tpu.memref_slice %arg6[%run_scoped3A_3, %dma_wait3A_58] : memref<4x256xi32, #tpu.memory_space<vmem>> -> memref<1x256xi32, #tpu.memory_space<vmem>>
      %dma_wait3A_60 = tpu.memref_squeeze %dma_wait3A_59 : memref<1x256xi32, #tpu.memory_space<vmem>> -> memref<256xi32, #tpu.memory_space<vmem>>
      %dma_wait3A_61 = tpu.memref_slice %arg2[%run_scoped3A, %mul3A_2] : memref<4x8192xi32, #tpu.memory_space<hbm>> -> memref<1x256xi32, #tpu.memory_space<hbm>>
      %dma_wait3A_62 = tpu.memref_squeeze %dma_wait3A_61 : memref<1x256xi32, #tpu.memory_space<hbm>> -> memref<256xi32, #tpu.memory_space<hbm>>
      %dma_wait3A_63 = arith.constant 0 : i32
      %dma_wait3A_64 = tpu.memref_slice %arg6[%run_scoped3A_3, %dma_wait3A_63] : memref<4x256xi32, #tpu.memory_space<vmem>> -> memref<1x256xi32, #tpu.memory_space<vmem>>
      %dma_wait3A_65 = tpu.memref_squeeze %dma_wait3A_64 : memref<1x256xi32, #tpu.memory_space<vmem>> -> memref<256xi32, #tpu.memory_space<vmem>>
      %dma_wait3A_66 = tpu.memref_slice %arg2[%run_scoped3A, %mul3A_2] : memref<4x8192xi32, #tpu.memory_space<hbm>> -> memref<1x256xi32, #tpu.memory_space<hbm>>
      %dma_wait3A_67 = tpu.memref_squeeze %dma_wait3A_66 : memref<1x256xi32, #tpu.memory_space<hbm>> -> memref<256xi32, #tpu.memory_space<hbm>>
      tpu.wait_dma2 semaphore(%run_scoped3A_47 : memref<!tpu.dma_semaphore, #tpu.memory_space<semaphore_mem>>) src(%dma_wait3A_67 : memref<256xi32, #tpu.memory_space<hbm>>) dst(%dma_wait3A_65 : memref<256xi32, #tpu.memory_space<vmem>>)
      tpu.yield
    }) : () -> ()
    %run_scoped3A_4 = arith.constant 1 : i32
    %run_scoped3A_5 = arith.constant 1 : i32
    "tpu.region"() ({
      %run_scoped3A_47 = tpu.sem_alloc : memref<!tpu.dma_semaphore, #tpu.memory_space<semaphore_mem>>
      %dma_start3A_48 = arith.constant 0 : i32
      %dma_start3A_49 = tpu.memref_slice %arg6[%run_scoped3A_5, %dma_start3A_48] : memref<4x256xi32, #tpu.memory_space<vmem>> -> memref<1x256xi32, #tpu.memory_space<vmem>>
      %dma_start3A_50 = tpu.memref_squeeze %dma_start3A_49 : memref<1x256xi32, #tpu.memory_space<vmem>> -> memref<256xi32, #tpu.memory_space<vmem>>
      %dma_start3A_51 = tpu.memref_slice %arg2[%run_scoped3A_4, %mul3A_2] : memref<4x8192xi32, #tpu.memory_space<hbm>> -> memref<1x256xi32, #tpu.memory_space<hbm>>
      %dma_start3A_52 = tpu.memref_squeeze %dma_start3A_51 : memref<1x256xi32, #tpu.memory_space<hbm>> -> memref<256xi32, #tpu.memory_space<hbm>>
      %dma_start3A_53 = arith.constant 0 : i32
      %dma_start3A_54 = tpu.memref_slice %arg6[%run_scoped3A_5, %dma_start3A_53] : memref<4x256xi32, #tpu.memory_space<vmem>> -> memref<1x256xi32, #tpu.memory_space<vmem>>
      %dma_start3A_55 = tpu.memref_squeeze %dma_start3A_54 : memref<1x256xi32, #tpu.memory_space<vmem>> -> memref<256xi32, #tpu.memory_space<vmem>>
      %dma_start3A_56 = tpu.memref_slice %arg2[%run_scoped3A_4, %mul3A_2] : memref<4x8192xi32, #tpu.memory_space<hbm>> -> memref<1x256xi32, #tpu.memory_space<hbm>>
      %dma_start3A_57 = tpu.memref_squeeze %dma_start3A_56 : memref<1x256xi32, #tpu.memory_space<hbm>> -> memref<256xi32, #tpu.memory_space<hbm>>
      tpu.enqueue_dma source(%dma_start3A_57 : memref<256xi32, #tpu.memory_space<hbm>>) target(%dma_start3A_55 : memref<256xi32, #tpu.memory_space<vmem>>) target_semaphore(%run_scoped3A_47 : memref<!tpu.dma_semaphore, #tpu.memory_space<semaphore_mem>>)
      %dma_wait3A_58 = arith.constant 0 : i32
      %dma_wait3A_59 = tpu.memref_slice %arg6[%run_scoped3A_5, %dma_wait3A_58] : memref<4x256xi32, #tpu.memory_space<vmem>> -> memref<1x256xi32, #tpu.memory_space<vmem>>
      %dma_wait3A_60 = tpu.memref_squeeze %dma_wait3A_59 : memref<1x256xi32, #tpu.memory_space<vmem>> -> memref<256xi32, #tpu.memory_space<vmem>>
      %dma_wait3A_61 = tpu.memref_slice %arg2[%run_scoped3A_4, %mul3A_2] : memref<4x8192xi32, #tpu.memory_space<hbm>> -> memref<1x256xi32, #tpu.memory_space<hbm>>
      %dma_wait3A_62 = tpu.memref_squeeze %dma_wait3A_61 : memref<1x256xi32, #tpu.memory_space<hbm>> -> memref<256xi32, #tpu.memory_space<hbm>>
      %dma_wait3A_63 = arith.constant 0 : i32
      %dma_wait3A_64 = tpu.memref_slice %arg6[%run_scoped3A_5, %dma_wait3A_63] : memref<4x256xi32, #tpu.memory_space<vmem>> -> memref<1x256xi32, #tpu.memory_space<vmem>>
      %dma_wait3A_65 = tpu.memref_squeeze %dma_wait3A_64 : memref<1x256xi32, #tpu.memory_space<vmem>> -> memref<256xi32, #tpu.memory_space<vmem>>
      %dma_wait3A_66 = tpu.memref_slice %arg2[%run_scoped3A_4, %mul3A_2] : memref<4x8192xi32, #tpu.memory_space<hbm>> -> memref<1x256xi32, #tpu.memory_space<hbm>>
      %dma_wait3A_67 = tpu.memref_squeeze %dma_wait3A_66 : memref<1x256xi32, #tpu.memory_space<hbm>> -> memref<256xi32, #tpu.memory_space<hbm>>
      tpu.wait_dma2 semaphore(%run_scoped3A_47 : memref<!tpu.dma_semaphore, #tpu.memory_space<semaphore_mem>>) src(%dma_wait3A_67 : memref<256xi32, #tpu.memory_space<hbm>>) dst(%dma_wait3A_65 : memref<256xi32, #tpu.memory_space<vmem>>)
      tpu.yield
    }) : () -> ()
    %run_scoped3A_6 = arith.constant 2 : i32
    %run_scoped3A_7 = arith.constant 2 : i32
    "tpu.region"() ({
      %run_scoped3A_47 = tpu.sem_alloc : memref<!tpu.dma_semaphore, #tpu.memory_space<semaphore_mem>>
      %dma_start3A_48 = arith.constant 0 : i32
      %dma_start3A_49 = tpu.memref_slice %arg6[%run_scoped3A_7, %dma_start3A_48] : memref<4x256xi32, #tpu.memory_space<vmem>> -> memref<1x256xi32, #tpu.memory_space<vmem>>
      %dma_start3A_50 = tpu.memref_squeeze %dma_start3A_49 : memref<1x256xi32, #tpu.memory_space<vmem>> -> memref<256xi32, #tpu.memory_space<vmem>>
      %dma_start3A_51 = tpu.memref_slice %arg2[%run_scoped3A_6, %mul3A_2] : memref<4x8192xi32, #tpu.memory_space<hbm>> -> memref<1x256xi32, #tpu.memory_space<hbm>>
      %dma_start3A_52 = tpu.memref_squeeze %dma_start3A_51 : memref<1x256xi32, #tpu.memory_space<hbm>> -> memref<256xi32, #tpu.memory_space<hbm>>
      %dma_start3A_53 = arith.constant 0 : i32
      %dma_start3A_54 = tpu.memref_slice %arg6[%run_scoped3A_7, %dma_start3A_53] : memref<4x256xi32, #tpu.memory_space<vmem>> -> memref<1x256xi32, #tpu.memory_space<vmem>>
      %dma_start3A_55 = tpu.memref_squeeze %dma_start3A_54 : memref<1x256xi32, #tpu.memory_space<vmem>> -> memref<256xi32, #tpu.memory_space<vmem>>
      %dma_start3A_56 = tpu.memref_slice %arg2[%run_scoped3A_6, %mul3A_2] : memref<4x8192xi32, #tpu.memory_space<hbm>> -> memref<1x256xi32, #tpu.memory_space<hbm>>
      %dma_start3A_57 = tpu.memref_squeeze %dma_start3A_56 : memref<1x256xi32, #tpu.memory_space<hbm>> -> memref<256xi32, #tpu.memory_space<hbm>>
      tpu.enqueue_dma source(%dma_start3A_57 : memref<256xi32, #tpu.memory_space<hbm>>) target(%dma_start3A_55 : memref<256xi32, #tpu.memory_space<vmem>>) target_semaphore(%run_scoped3A_47 : memref<!tpu.dma_semaphore, #tpu.memory_space<semaphore_mem>>)
      %dma_wait3A_58 = arith.constant 0 : i32
      %dma_wait3A_59 = tpu.memref_slice %arg6[%run_scoped3A_7, %dma_wait3A_58] : memref<4x256xi32, #tpu.memory_space<vmem>> -> memref<1x256xi32, #tpu.memory_space<vmem>>
      %dma_wait3A_60 = tpu.memref_squeeze %dma_wait3A_59 : memref<1x256xi32, #tpu.memory_space<vmem>> -> memref<256xi32, #tpu.memory_space<vmem>>
      %dma_wait3A_61 = tpu.memref_slice %arg2[%run_scoped3A_6, %mul3A_2] : memref<4x8192xi32, #tpu.memory_space<hbm>> -> memref<1x256xi32, #tpu.memory_space<hbm>>
      %dma_wait3A_62 = tpu.memref_squeeze %dma_wait3A_61 : memref<1x256xi32, #tpu.memory_space<hbm>> -> memref<256xi32, #tpu.memory_space<hbm>>
      %dma_wait3A_63 = arith.constant 0 : i32
      %dma_wait3A_64 = tpu.memref_slice %arg6[%run_scoped3A_7, %dma_wait3A_63] : memref<4x256xi32, #tpu.memory_space<vmem>> -> memref<1x256xi32, #tpu.memory_space<vmem>>
      %dma_wait3A_65 = tpu.memref_squeeze %dma_wait3A_64 : memref<1x256xi32, #tpu.memory_space<vmem>> -> memref<256xi32, #tpu.memory_space<vmem>>
      %dma_wait3A_66 = tpu.memref_slice %arg2[%run_scoped3A_6, %mul3A_2] : memref<4x8192xi32, #tpu.memory_space<hbm>> -> memref<1x256xi32, #tpu.memory_space<hbm>>
      %dma_wait3A_67 = tpu.memref_squeeze %dma_wait3A_66 : memref<1x256xi32, #tpu.memory_space<hbm>> -> memref<256xi32, #tpu.memory_space<hbm>>
      tpu.wait_dma2 semaphore(%run_scoped3A_47 : memref<!tpu.dma_semaphore, #tpu.memory_space<semaphore_mem>>) src(%dma_wait3A_67 : memref<256xi32, #tpu.memory_space<hbm>>) dst(%dma_wait3A_65 : memref<256xi32, #tpu.memory_space<vmem>>)
      tpu.yield
    }) : () -> ()
    %run_scoped3A_8 = arith.constant 3 : i32
    %run_scoped3A_9 = arith.constant 3 : i32
    "tpu.region"() ({
      %run_scoped3A_47 = tpu.sem_alloc : memref<!tpu.dma_semaphore, #tpu.memory_space<semaphore_mem>>
      %dma_start3A_48 = arith.constant 0 : i32
      %dma_start3A_49 = tpu.memref_slice %arg6[%run_scoped3A_9, %dma_start3A_48] : memref<4x256xi32, #tpu.memory_space<vmem>> -> memref<1x256xi32, #tpu.memory_space<vmem>>
      %dma_start3A_50 = tpu.memref_squeeze %dma_start3A_49 : memref<1x256xi32, #tpu.memory_space<vmem>> -> memref<256xi32, #tpu.memory_space<vmem>>
      %dma_start3A_51 = tpu.memref_slice %arg2[%run_scoped3A_8, %mul3A_2] : memref<4x8192xi32, #tpu.memory_space<hbm>> -> memref<1x256xi32, #tpu.memory_space<hbm>>
      %dma_start3A_52 = tpu.memref_squeeze %dma_start3A_51 : memref<1x256xi32, #tpu.memory_space<hbm>> -> memref<256xi32, #tpu.memory_space<hbm>>
      %dma_start3A_53 = arith.constant 0 : i32
      %dma_start3A_54 = tpu.memref_slice %arg6[%run_scoped3A_9, %dma_start3A_53] : memref<4x256xi32, #tpu.memory_space<vmem>> -> memref<1x256xi32, #tpu.memory_space<vmem>>
      %dma_start3A_55 = tpu.memref_squeeze %dma_start3A_54 : memref<1x256xi32, #tpu.memory_space<vmem>> -> memref<256xi32, #tpu.memory_space<vmem>>
      %dma_start3A_56 = tpu.memref_slice %arg2[%run_scoped3A_8, %mul3A_2] : memref<4x8192xi32, #tpu.memory_space<hbm>> -> memref<1x256xi32, #tpu.memory_space<hbm>>
      %dma_start3A_57 = tpu.memref_squeeze %dma_start3A_56 : memref<1x256xi32, #tpu.memory_space<hbm>> -> memref<256xi32, #tpu.memory_space<hbm>>
      tpu.enqueue_dma source(%dma_start3A_57 : memref<256xi32, #tpu.memory_space<hbm>>) target(%dma_start3A_55 : memref<256xi32, #tpu.memory_space<vmem>>) target_semaphore(%run_scoped3A_47 : memref<!tpu.dma_semaphore, #tpu.memory_space<semaphore_mem>>)
      %dma_wait3A_58 = arith.constant 0 : i32
      %dma_wait3A_59 = tpu.memref_slice %arg6[%run_scoped3A_9, %dma_wait3A_58] : memref<4x256xi32, #tpu.memory_space<vmem>> -> memref<1x256xi32, #tpu.memory_space<vmem>>
      %dma_wait3A_60 = tpu.memref_squeeze %dma_wait3A_59 : memref<1x256xi32, #tpu.memory_space<vmem>> -> memref<256xi32, #tpu.memory_space<vmem>>
      %dma_wait3A_61 = tpu.memref_slice %arg2[%run_scoped3A_8, %mul3A_2] : memref<4x8192xi32, #tpu.memory_space<hbm>> -> memref<1x256xi32, #tpu.memory_space<hbm>>
      %dma_wait3A_62 = tpu.memref_squeeze %dma_wait3A_61 : memref<1x256xi32, #tpu.memory_space<hbm>> -> memref<256xi32, #tpu.memory_space<hbm>>
      %dma_wait3A_63 = arith.constant 0 : i32
      %dma_wait3A_64 = tpu.memref_slice %arg6[%run_scoped3A_9, %dma_wait3A_63] : memref<4x256xi32, #tpu.memory_space<vmem>> -> memref<1x256xi32, #tpu.memory_space<vmem>>
      %dma_wait3A_65 = tpu.memref_squeeze %dma_wait3A_64 : memref<1x256xi32, #tpu.memory_space<vmem>> -> memref<256xi32, #tpu.memory_space<vmem>>
      %dma_wait3A_66 = tpu.memref_slice %arg2[%run_scoped3A_8, %mul3A_2] : memref<4x8192xi32, #tpu.memory_space<hbm>> -> memref<1x256xi32, #tpu.memory_space<hbm>>
      %dma_wait3A_67 = tpu.memref_squeeze %dma_wait3A_66 : memref<1x256xi32, #tpu.memory_space<hbm>> -> memref<256xi32, #tpu.memory_space<hbm>>
      tpu.wait_dma2 semaphore(%run_scoped3A_47 : memref<!tpu.dma_semaphore, #tpu.memory_space<semaphore_mem>>) src(%dma_wait3A_67 : memref<256xi32, #tpu.memory_space<hbm>>) dst(%dma_wait3A_65 : memref<256xi32, #tpu.memory_space<vmem>>)
      tpu.yield
    }) : () -> ()
    "tpu.region"() ({
      %run_scoped3A_47 = tpu.sem_alloc : memref<!tpu.dma_semaphore, #tpu.memory_space<semaphore_mem>>
      %dma_start3A_48 = arith.constant 0 : i32
      %dma_start3A_49 = tpu.memref_slice %arg3[%mul3A_2, %dma_start3A_48] : memref<8192x512xi32, #tpu.memory_space<hbm>> -> memref<32x512xi32, #tpu.memory_space<hbm>>
      %dma_start3A_50 = arith.constant 0 : i32
      %dma_start3A_51 = tpu.memref_slice %arg3[%mul3A_2, %dma_start3A_50] : memref<8192x512xi32, #tpu.memory_space<hbm>> -> memref<32x512xi32, #tpu.memory_space<hbm>>
      tpu.enqueue_dma source(%dma_start3A_51 : memref<32x512xi32, #tpu.memory_space<hbm>>) target(%arg7 : memref<32x512xi32, #tpu.memory_space<vmem>>) target_semaphore(%run_scoped3A_47 : memref<!tpu.dma_semaphore, #tpu.memory_space<semaphore_mem>>)
      %dma_wait3A_52 = arith.constant 0 : i32
      %dma_wait3A_53 = tpu.memref_slice %arg3[%mul3A_2, %dma_wait3A_52] : memref<8192x512xi32, #tpu.memory_space<hbm>> -> memref<32x512xi32, #tpu.memory_space<hbm>>
      %dma_wait3A_54 = arith.constant 0 : i32
      %dma_wait3A_55 = tpu.memref_slice %arg3[%mul3A_2, %dma_wait3A_54] : memref<8192x512xi32, #tpu.memory_space<hbm>> -> memref<32x512xi32, #tpu.memory_space<hbm>>
      tpu.wait_dma2 semaphore(%run_scoped3A_47 : memref<!tpu.dma_semaphore, #tpu.memory_space<semaphore_mem>>) src(%dma_wait3A_55 : memref<32x512xi32, #tpu.memory_space<hbm>>) dst(%arg7 : memref<32x512xi32, #tpu.memory_space<vmem>>)
      tpu.yield
    }) : () -> ()
    %dma_start3A = arith.constant 0 : i32
    %dma_start3A_10 = arith.constant 0 : i32
    %dma_start3A_11 = tpu.memref_slice %arg6[%dma_start3A, %dma_start3A_10] : memref<4x256xi32, #tpu.memory_space<vmem>> -> memref<1x32xi32, #tpu.memory_space<vmem>>
    %dma_start3A_12 = tpu.memref_squeeze %dma_start3A_11 : memref<1x32xi32, #tpu.memory_space<vmem>> -> memref<32xi32, #tpu.memory_space<vmem>>
    %dma_start3A_13 = arith.constant 0 : i32
    %dma_start3A_14 = arith.constant 0 : i32
    %dma_start3A_15 = tpu.memref_slice %arg4[%dma_start3A_13, %dma_start3A_14] : memref<100000x1024xf32, #tpu.memory_space<hbm>> -> memref<100000x1024xf32, #tpu.memory_space<hbm>>
    tpu.enqueue_indirect_dma source(%dma_start3A_15 : memref<100000x1024xf32, #tpu.memory_space<hbm>>) target(%arg8 : memref<32x1024xf32, #tpu.memory_space<vmem>>) offsets(%dma_start3A_12 : memref<32xi32, #tpu.memory_space<vmem>>) semaphore(%arg11 : memref<!tpu.dma_semaphore, #tpu.memory_space<semaphore_mem>>)
    %scan3A = arith.constant 0 : i32
    %scan3A_16 = arith.constant 0 : i32
    %scan3A_17 = arith.constant 11 : i32
    %scan3A_18 = arith.addi %scan3A_16, %scan3A_17 : i32
    %scan3A_19 = arith.constant 1 : i32
    scf.for %scan3A_47 = %scan3A_16 to %scan3A_18 step %scan3A_19  : i32 {
      %mul3A_48 = arith.constant 3 : i32
      %mul3A_49 = arith.muli %scan3A_47, %mul3A_48 : i32
      %add3A_50 = arith.constant 0 : i32
      %add3A_51 = arith.addi %mul3A_49, %add3A_50 : i32
      %ge3A = arith.constant 2 : i32
      %ge3A_52 = arith.cmpi sge, %add3A_51, %ge3A : i32
      %add3A_53 = arith.constant 1 : i32
      %add3A_54 = arith.addi %add3A_51, %add3A_53 : i32
      %lt3A = arith.constant 32 : i32
      %lt3A_55 = arith.cmpi slt, %add3A_54, %lt3A : i32
      %and3A = arith.andi %ge3A_52, %lt3A_55 : i1
      %convert_element_type3A = arith.extui %and3A : i1 to i32
      %cond3A = arith.constant 0 : i32
      %cond3A_56 = arith.cmpi ne, %convert_element_type3A, %cond3A : i32
      scf.if %cond3A_56 {
        %sub3A = arith.constant 2 : i32
        %sub3A_156 = arith.subi %add3A_51, %sub3A : i32
        %and3A_157 = arith.constant 3 : i32
        %and3A_158 = arith.andi %sub3A_156, %and3A_157 : i32
        %shift_right_arithmetic3A = arith.constant 2 : i32
        %shift_right_arithmetic3A_159 = arith.shrsi %sub3A_156, %shift_right_arithmetic3A : i32
        %mul3A_160 = arith.constant 32 : i32
        %mul3A_161 = arith.muli %shift_right_arithmetic3A_159, %mul3A_160 : i32
        %add3A_162 = arith.addi %mul3A_2, %mul3A_161 : i32
        %dma_wait3A_163 = arith.constant 0 : i32
        %dma_wait3A_164 = tpu.memref_slice %arg5[%and3A_158, %add3A_162, %dma_wait3A_163] : memref<4x8192x1024xf32, #tpu.memory_space<hbm>> -> memref<1x32x1024xf32, #tpu.memory_space<hbm>>
        %dma_wait3A_165 = tpu.memref_squeeze %dma_wait3A_164 : memref<1x32x1024xf32, #tpu.memory_space<hbm>> -> memref<32x1024xf32, #tpu.memory_space<hbm>>
        %dma_wait3A_166 = arith.constant 0 : i32
        %dma_wait3A_167 = tpu.memref_slice %arg5[%and3A_158, %add3A_162, %dma_wait3A_166] : memref<4x8192x1024xf32, #tpu.memory_space<hbm>> -> memref<1x32x1024xf32, #tpu.memory_space<hbm>>
        %dma_wait3A_168 = tpu.memref_squeeze %dma_wait3A_167 : memref<1x32x1024xf32, #tpu.memory_space<hbm>> -> memref<32x1024xf32, #tpu.memory_space<hbm>>
        tpu.wait_dma2 semaphore(%arg15 : memref<!tpu.dma_semaphore, #tpu.memory_space<semaphore_mem>>) src(%arg9 : memref<32x1024xf32, #tpu.memory_space<vmem>>) dst(%dma_wait3A_168 : memref<32x1024xf32, #tpu.memory_space<hbm>>)
      } else {
      }
      %add3A_57 = arith.constant 1 : i32
      %add3A_58 = arith.addi %add3A_51, %add3A_57 : i32
      %lt3A_59 = arith.constant 32 : i32
      %lt3A_60 = arith.cmpi slt, %add3A_58, %lt3A_59 : i32
      %convert_element_type3A_61 = arith.extui %lt3A_60 : i1 to i32
      %cond3A_62 = arith.constant 0 : i32
      %cond3A_63 = arith.cmpi ne, %convert_element_type3A_61, %cond3A_62 : i32
      scf.if %cond3A_63 {
        %add3A_156 = arith.constant 1 : i32
        %add3A_157 = arith.addi %add3A_51, %add3A_156 : i32
        %and3A_158 = arith.constant 3 : i32
        %and3A_159 = arith.andi %add3A_157, %and3A_158 : i32
        %shift_right_arithmetic3A = arith.constant 2 : i32
        %shift_right_arithmetic3A_160 = arith.shrsi %add3A_157, %shift_right_arithmetic3A : i32
        %mul3A_161 = arith.constant 32 : i32
        %mul3A_162 = arith.muli %shift_right_arithmetic3A_160, %mul3A_161 : i32
        %dma_start3A_163 = tpu.memref_slice %arg6[%and3A_159, %mul3A_162] : memref<4x256xi32, #tpu.memory_space<vmem>> -> memref<1x32xi32, #tpu.memory_space<vmem>>
        %dma_start3A_164 = tpu.memref_squeeze %dma_start3A_163 : memref<1x32xi32, #tpu.memory_space<vmem>> -> memref<32xi32, #tpu.memory_space<vmem>>
        %dma_start3A_165 = arith.constant 0 : i32
        %dma_start3A_166 = arith.constant 0 : i32
        %dma_start3A_167 = tpu.memref_slice %arg4[%dma_start3A_165, %dma_start3A_166] : memref<100000x1024xf32, #tpu.memory_space<hbm>> -> memref<100000x1024xf32, #tpu.memory_space<hbm>>
        tpu.enqueue_indirect_dma source(%dma_start3A_167 : memref<100000x1024xf32, #tpu.memory_space<hbm>>) target(%arg9 : memref<32x1024xf32, #tpu.memory_space<vmem>>) offsets(%dma_start3A_164 : memref<32xi32, #tpu.memory_space<vmem>>) semaphore(%arg12 : memref<!tpu.dma_semaphore, #tpu.memory_space<semaphore_mem>>)
      } else {
      }
      %lt3A_64 = arith.constant 32 : i32
      %lt3A_65 = arith.cmpi slt, %add3A_51, %lt3A_64 : i32
      %convert_element_type3A_66 = arith.extui %lt3A_65 : i1 to i32
      %cond3A_67 = arith.constant 0 : i32
      %cond3A_68 = arith.cmpi ne, %convert_element_type3A_66, %cond3A_67 : i32
      scf.if %cond3A_68 {
        %dma_wait3A_156 = arith.constant 0 : i32
        %dma_wait3A_157 = arith.constant 0 : i32
        %dma_wait3A_158 = tpu.memref_slice %arg6[%dma_wait3A_156, %dma_wait3A_157] : memref<4x256xi32, #tpu.memory_space<vmem>> -> memref<1x32xi32, #tpu.memory_space<vmem>>
        %dma_wait3A_159 = tpu.memref_squeeze %dma_wait3A_158 : memref<1x32xi32, #tpu.memory_space<vmem>> -> memref<32xi32, #tpu.memory_space<vmem>>
        %dma_wait3A_160 = arith.constant 0 : i32
        %dma_wait3A_161 = arith.constant 0 : i32
        %dma_wait3A_162 = tpu.memref_slice %arg4[%dma_wait3A_160, %dma_wait3A_161] : memref<100000x1024xf32, #tpu.memory_space<hbm>> -> memref<100000x1024xf32, #tpu.memory_space<hbm>>
        tpu.wait_indirect_dma semaphore(%arg11 : memref<!tpu.dma_semaphore, #tpu.memory_space<semaphore_mem>>) src(%dma_wait3A_162 : memref<100000x1024xf32, #tpu.memory_space<hbm>>) dst(%arg8 : memref<32x1024xf32, #tpu.memory_space<vmem>>)
        %parallel_loop3A = arith.constant 0 : i32
        %parallel_loop3A_163 = arith.constant 1024 : i32
        %parallel_loop3A_164 = arith.constant 1 : i32
        scf.for %parallel_loop3A_177 = %parallel_loop3A to %parallel_loop3A_163 step %parallel_loop3A_164  : i32 {
          %parallel_loop3A_178 = arith.constant 5 : i32
          %parallel_loop3A_179 = arith.shrsi %parallel_loop3A_177, %parallel_loop3A_178 : i32
          %parallel_loop3A_180 = arith.constant 31 : i32
          %parallel_loop3A_181 = arith.andi %parallel_loop3A_177, %parallel_loop3A_180 : i32
          %parallel_loop3A_182 = arith.constant 16 : i32
          %parallel_loop3A_183 = arith.muli %parallel_loop3A_181, %parallel_loop3A_182 : i32
          %parallel_loop3A_184 = arith.index_cast %parallel_loop3A_179 : i32 to index
          %parallel_loop3A_185 = arith.index_cast %parallel_loop3A_183 : i32 to index
          %parallel_loop3A_186 = tpu.vector_load %arg7[%parallel_loop3A_184, %parallel_loop3A_185] {strides = array<i32>} : memref<32x512xi32, #tpu.memory_space<vmem>>, vector<1x16xi32>,
          %parallel_loop3A_187 = vector.shape_cast %parallel_loop3A_186 : vector<1x16xi32> to vector<16xi32>
          %parallel_loop3A_188 = arith.constant 16 : i32
          %parallel_loop3A_189 = vector.broadcast %parallel_loop3A_188 : i32 to vector<16xi32>
          %parallel_loop3A_190 = arith.shli %parallel_loop3A_187, %parallel_loop3A_189 : vector<16xi32>
          %parallel_loop3A_191 = tpu.bitcast %parallel_loop3A_190 : vector<16xi32> -> vector<16xf32>
          %parallel_loop3A_192 = arith.constant -65536 : i32
          %parallel_loop3A_193 = vector.broadcast %parallel_loop3A_192 : i32 to vector<16xi32>
          %parallel_loop3A_194 = arith.andi %parallel_loop3A_187, %parallel_loop3A_193 : vector<16xi32>
          %parallel_loop3A_195 = tpu.bitcast %parallel_loop3A_194 : vector<16xi32> -> vector<16xf32>
          %parallel_loop3A_196 = arith.constant 2 : i32
          %parallel_loop3A_197 = arith.muli %parallel_loop3A_181, %parallel_loop3A_196 : i32
          %parallel_loop3A_198 = arith.constant 16 : i32
          %parallel_loop3A_199 = arith.muli %parallel_loop3A_197, %parallel_loop3A_198 : i32
          %parallel_loop3A_200 = arith.constant 2 : i32
          %parallel_loop3A_201 = arith.muli %parallel_loop3A_181, %parallel_loop3A_200 : i32
          %parallel_loop3A_202 = arith.constant 16 : i32
          %parallel_loop3A_203 = arith.muli %parallel_loop3A_201, %parallel_loop3A_202 : i32
          %parallel_loop3A_204 = arith.constant 16 : i32
          %parallel_loop3A_205 = arith.addi %parallel_loop3A_203, %parallel_loop3A_204 : i32
          %parallel_loop3A_206 = arith.index_cast %parallel_loop3A_179 : i32 to index
          %parallel_loop3A_207 = arith.index_cast %parallel_loop3A_199 : i32 to index
          %parallel_loop3A_208 = tpu.vector_load %arg8[%parallel_loop3A_206, %parallel_loop3A_207] {strides = array<i32>} : memref<32x1024xf32, #tpu.memory_space<vmem>>, vector<1x16xf32>,
          %parallel_loop3A_209 = vector.shape_cast %parallel_loop3A_208 : vector<1x16xf32> to vector<16xf32>
          %parallel_loop3A_210 = arith.constant 3.200000e+01 : f32
          %parallel_loop3A_211 = vector.broadcast %parallel_loop3A_210 : f32 to vector<16xf32>
          %parallel_loop3A_212 = arith.mulf %parallel_loop3A_209, %parallel_loop3A_211 : vector<16xf32>
          %parallel_loop3A_213 = arith.addf %parallel_loop3A_212, %parallel_loop3A_191 : vector<16xf32>
          %parallel_loop3A_214 = arith.index_cast %parallel_loop3A_179 : i32 to index
          %parallel_loop3A_215 = arith.index_cast %parallel_loop3A_199 : i32 to index
          %parallel_loop3A_216 = tpu.vector_load %arg8[%parallel_loop3A_214, %parallel_loop3A_215] {strides = array<i32>} : memref<32x1024xf32, #tpu.memory_space<vmem>>, vector<1x16xf32>,
          %parallel_loop3A_217 = vector.shape_cast %parallel_loop3A_216 : vector<1x16xf32> to vector<16xf32>
          %parallel_loop3A_218 = vector.shape_cast %parallel_loop3A_213 : vector<16xf32> to vector<1x16xf32>
          tpu.vector_store %arg8[%parallel_loop3A_214, %parallel_loop3A_215], %parallel_loop3A_218 {strides = array<i32>} : memref<32x1024xf32, #tpu.memory_space<vmem>>, vector<1x16xf32>,
          %parallel_loop3A_219 = arith.index_cast %parallel_loop3A_179 : i32 to index
          %parallel_loop3A_220 = arith.index_cast %parallel_loop3A_205 : i32 to index
          %parallel_loop3A_221 = tpu.vector_load %arg8[%parallel_loop3A_219, %parallel_loop3A_220] {strides = array<i32>} : memref<32x1024xf32, #tpu.memory_space<vmem>>, vector<1x16xf32>,
          %parallel_loop3A_222 = vector.shape_cast %parallel_loop3A_221 : vector<1x16xf32> to vector<16xf32>
          %parallel_loop3A_223 = arith.constant 3.200000e+01 : f32
          %parallel_loop3A_224 = vector.broadcast %parallel_loop3A_223 : f32 to vector<16xf32>
          %parallel_loop3A_225 = arith.mulf %parallel_loop3A_222, %parallel_loop3A_224 : vector<16xf32>
          %parallel_loop3A_226 = arith.addf %parallel_loop3A_225, %parallel_loop3A_195 : vector<16xf32>
          %parallel_loop3A_227 = arith.index_cast %parallel_loop3A_179 : i32 to index
          %parallel_loop3A_228 = arith.index_cast %parallel_loop3A_205 : i32 to index
          %parallel_loop3A_229 = tpu.vector_load %arg8[%parallel_loop3A_227, %parallel_loop3A_228] {strides = array<i32>} : memref<32x1024xf32, #tpu.memory_space<vmem>>, vector<1x16xf32>,
          %parallel_loop3A_230 = vector.shape_cast %parallel_loop3A_229 : vector<1x16xf32> to vector<16xf32>
          %parallel_loop3A_231 = vector.shape_cast %parallel_loop3A_226 : vector<16xf32> to vector<1x16xf32>
          tpu.vector_store %arg8[%parallel_loop3A_227, %parallel_loop3A_228], %parallel_loop3A_231 {strides = array<i32>} : memref<32x1024xf32, #tpu.memory_space<vmem>>, vector<1x16xf32>,
        } {sc.loop_unroll_factor = 4 : i64, sc.parallel_access}
        %and3A_165 = arith.constant 3 : i32
        %and3A_166 = arith.andi %add3A_51, %and3A_165 : i32
        %shift_right_arithmetic3A = arith.constant 2 : i32
        %shift_right_arithmetic3A_167 = arith.shrsi %add3A_51, %shift_right_arithmetic3A : i32
        %mul3A_168 = arith.constant 32 : i32
        %mul3A_169 = arith.muli %shift_right_arithmetic3A_167, %mul3A_168 : i32
        %add3A_170 = arith.addi %mul3A_2, %mul3A_169 : i32
        %dma_start3A_171 = arith.constant 0 : i32
        %dma_start3A_172 = tpu.memref_slice %arg5[%and3A_166, %add3A_170, %dma_start3A_171] : memref<4x8192x1024xf32, #tpu.memory_space<hbm>> -> memref<1x32x1024xf32, #tpu.memory_space<hbm>>
        %dma_start3A_173 = tpu.memref_squeeze %dma_start3A_172 : memref<1x32x1024xf32, #tpu.memory_space<hbm>> -> memref<32x1024xf32, #tpu.memory_space<hbm>>
        %dma_start3A_174 = arith.constant 0 : i32
        %dma_start3A_175 = tpu.memref_slice %arg5[%and3A_166, %add3A_170, %dma_start3A_174] : memref<4x8192x1024xf32, #tpu.memory_space<hbm>> -> memref<1x32x1024xf32, #tpu.memory_space<hbm>>
        %dma_start3A_176 = tpu.memref_squeeze %dma_start3A_175 : memref<1x32x1024xf32, #tpu.memory_space<hbm>> -> memref<32x1024xf32, #tpu.memory_space<hbm>>
        tpu.enqueue_dma source(%arg8 : memref<32x1024xf32, #tpu.memory_space<vmem>>) target(%dma_start3A_176 : memref<32x1024xf32, #tpu.memory_space<hbm>>) target_semaphore(%arg14 : memref<!tpu.dma_semaphore, #tpu.memory_space<semaphore_mem>>)
      } else {
      }
      %and3A_69 = arith.constant 3 : i32
      %and3A_70 = arith.andi %add3A_51, %and3A_69 : i32
      %eq3A = arith.constant 3 : i32
      %eq3A_71 = arith.cmpi eq, %and3A_70, %eq3A : i32
      %add3A_72 = arith.constant 1 : i32
      %add3A_73 = arith.addi %add3A_51, %add3A_72 : i32
      %lt3A_74 = arith.constant 32 : i32
      %lt3A_75 = arith.cmpi slt, %add3A_73, %lt3A_74 : i32
      %and3A_76 = arith.andi %eq3A_71, %lt3A_75 : i1
      %convert_element_type3A_77 = arith.extui %and3A_76 : i1 to i32
      %cond3A_78 = arith.constant 0 : i32
      %cond3A_79 = arith.cmpi ne, %convert_element_type3A_77, %cond3A_78 : i32
      scf.if %cond3A_79 {
        %add3A_156 = arith.constant 1 : i32
        %add3A_157 = arith.addi %add3A_51, %add3A_156 : i32
        %shift_right_arithmetic3A = arith.constant 2 : i32
        %shift_right_arithmetic3A_158 = arith.shrsi %add3A_157, %shift_right_arithmetic3A : i32
        %mul3A_159 = arith.constant 32 : i32
        %mul3A_160 = arith.muli %shift_right_arithmetic3A_158, %mul3A_159 : i32
        %add3A_161 = arith.addi %mul3A_2, %mul3A_160 : i32
        "tpu.region"() ({
          %run_scoped3A_162 = tpu.sem_alloc : memref<!tpu.dma_semaphore, #tpu.memory_space<semaphore_mem>>
          %dma_start3A_163 = arith.constant 0 : i32
          %dma_start3A_164 = tpu.memref_slice %arg3[%add3A_161, %dma_start3A_163] : memref<8192x512xi32, #tpu.memory_space<hbm>> -> memref<32x512xi32, #tpu.memory_space<hbm>>
          %dma_start3A_165 = arith.constant 0 : i32
          %dma_start3A_166 = tpu.memref_slice %arg3[%add3A_161, %dma_start3A_165] : memref<8192x512xi32, #tpu.memory_space<hbm>> -> memref<32x512xi32, #tpu.memory_space<hbm>>
          tpu.enqueue_dma source(%dma_start3A_166 : memref<32x512xi32, #tpu.memory_space<hbm>>) target(%arg7 : memref<32x512xi32, #tpu.memory_space<vmem>>) target_semaphore(%run_scoped3A_162 : memref<!tpu.dma_semaphore, #tpu.memory_space<semaphore_mem>>)
          %dma_wait3A_167 = arith.constant 0 : i32
          %dma_wait3A_168 = tpu.memref_slice %arg3[%add3A_161, %dma_wait3A_167] : memref<8192x512xi32, #tpu.memory_space<hbm>> -> memref<32x512xi32, #tpu.memory_space<hbm>>
          %dma_wait3A_169 = arith.constant 0 : i32
          %dma_wait3A_170 = tpu.memref_slice %arg3[%add3A_161, %dma_wait3A_169] : memref<8192x512xi32, #tpu.memory_space<hbm>> -> memref<32x512xi32, #tpu.memory_space<hbm>>
          tpu.wait_dma2 semaphore(%run_scoped3A_162 : memref<!tpu.dma_semaphore, #tpu.memory_space<semaphore_mem>>) src(%dma_wait3A_170 : memref<32x512xi32, #tpu.memory_space<hbm>>) dst(%arg7 : memref<32x512xi32, #tpu.memory_space<vmem>>)
          tpu.yield
        }) : () -> ()
      } else {
      }
      %mul3A_80 = arith.constant 3 : i32
      %mul3A_81 = arith.muli %scan3A_47, %mul3A_80 : i32
      %add3A_82 = arith.constant 1 : i32
      %add3A_83 = arith.addi %mul3A_81, %add3A_82 : i32
      %ge3A_84 = arith.constant 2 : i32
      %ge3A_85 = arith.cmpi sge, %add3A_83, %ge3A_84 : i32
      %add3A_86 = arith.constant 1 : i32
      %add3A_87 = arith.addi %add3A_83, %add3A_86 : i32
      %lt3A_88 = arith.constant 32 : i32
      %lt3A_89 = arith.cmpi slt, %add3A_87, %lt3A_88 : i32
      %and3A_90 = arith.andi %ge3A_85, %lt3A_89 : i1
      %convert_element_type3A_91 = arith.extui %and3A_90 : i1 to i32
      %cond3A_92 = arith.constant 0 : i32
      %cond3A_93 = arith.cmpi ne, %convert_element_type3A_91, %cond3A_92 : i32
      scf.if %cond3A_93 {
        %sub3A = arith.constant 2 : i32
        %sub3A_156 = arith.subi %add3A_83, %sub3A : i32
        %and3A_157 = arith.constant 3 : i32
        %and3A_158 = arith.andi %sub3A_156, %and3A_157 : i32
        %shift_right_arithmetic3A = arith.constant 2 : i32
        %shift_right_arithmetic3A_159 = arith.shrsi %sub3A_156, %shift_right_arithmetic3A : i32
        %mul3A_160 = arith.constant 32 : i32
        %mul3A_161 = arith.muli %shift_right_arithmetic3A_159, %mul3A_160 : i32
        %add3A_162 = arith.addi %mul3A_2, %mul3A_161 : i32
        %dma_wait3A_163 = arith.constant 0 : i32
        %dma_wait3A_164 = tpu.memref_slice %arg5[%and3A_158, %add3A_162, %dma_wait3A_163] : memref<4x8192x1024xf32, #tpu.memory_space<hbm>> -> memref<1x32x1024xf32, #tpu.memory_space<hbm>>
        %dma_wait3A_165 = tpu.memref_squeeze %dma_wait3A_164 : memref<1x32x1024xf32, #tpu.memory_space<hbm>> -> memref<32x1024xf32, #tpu.memory_space<hbm>>
        %dma_wait3A_166 = arith.constant 0 : i32
        %dma_wait3A_167 = tpu.memref_slice %arg5[%and3A_158, %add3A_162, %dma_wait3A_166] : memref<4x8192x1024xf32, #tpu.memory_space<hbm>> -> memref<1x32x1024xf32, #tpu.memory_space<hbm>>
        %dma_wait3A_168 = tpu.memref_squeeze %dma_wait3A_167 : memref<1x32x1024xf32, #tpu.memory_space<hbm>> -> memref<32x1024xf32, #tpu.memory_space<hbm>>
        tpu.wait_dma2 semaphore(%arg16 : memref<!tpu.dma_semaphore, #tpu.memory_space<semaphore_mem>>) src(%arg10 : memref<32x1024xf32, #tpu.memory_space<vmem>>) dst(%dma_wait3A_168 : memref<32x1024xf32, #tpu.memory_space<hbm>>)
      } else {
      }
      %add3A_94 = arith.constant 1 : i32
      %add3A_95 = arith.addi %add3A_83, %add3A_94 : i32
      %lt3A_96 = arith.constant 32 : i32
      %lt3A_97 = arith.cmpi slt, %add3A_95, %lt3A_96 : i32
      %convert_element_type3A_98 = arith.extui %lt3A_97 : i1 to i32
      %cond3A_99 = arith.constant 0 : i32
      %cond3A_100 = arith.cmpi ne, %convert_element_type3A_98, %cond3A_99 : i32
      scf.if %cond3A_100 {
        %add3A_156 = arith.constant 1 : i32
        %add3A_157 = arith.addi %add3A_83, %add3A_156 : i32
        %and3A_158 = arith.constant 3 : i32
        %and3A_159 = arith.andi %add3A_157, %and3A_158 : i32
        %shift_right_arithmetic3A = arith.constant 2 : i32
        %shift_right_arithmetic3A_160 = arith.shrsi %add3A_157, %shift_right_arithmetic3A : i32
        %mul3A_161 = arith.constant 32 : i32
        %mul3A_162 = arith.muli %shift_right_arithmetic3A_160, %mul3A_161 : i32
        %dma_start3A_163 = tpu.memref_slice %arg6[%and3A_159, %mul3A_162] : memref<4x256xi32, #tpu.memory_space<vmem>> -> memref<1x32xi32, #tpu.memory_space<vmem>>
        %dma_start3A_164 = tpu.memref_squeeze %dma_start3A_163 : memref<1x32xi32, #tpu.memory_space<vmem>> -> memref<32xi32, #tpu.memory_space<vmem>>
        %dma_start3A_165 = arith.constant 0 : i32
        %dma_start3A_166 = arith.constant 0 : i32
        %dma_start3A_167 = tpu.memref_slice %arg4[%dma_start3A_165, %dma_start3A_166] : memref<100000x1024xf32, #tpu.memory_space<hbm>> -> memref<100000x1024xf32, #tpu.memory_space<hbm>>
        tpu.enqueue_indirect_dma source(%dma_start3A_167 : memref<100000x1024xf32, #tpu.memory_space<hbm>>) target(%arg10 : memref<32x1024xf32, #tpu.memory_space<vmem>>) offsets(%dma_start3A_164 : memref<32xi32, #tpu.memory_space<vmem>>) semaphore(%arg13 : memref<!tpu.dma_semaphore, #tpu.memory_space<semaphore_mem>>)
      } else {
      }
      %lt3A_101 = arith.constant 32 : i32
      %lt3A_102 = arith.cmpi slt, %add3A_83, %lt3A_101 : i32
      %convert_element_type3A_103 = arith.extui %lt3A_102 : i1 to i32
      %cond3A_104 = arith.constant 0 : i32
      %cond3A_105 = arith.cmpi ne, %convert_element_type3A_103, %cond3A_104 : i32
      scf.if %cond3A_105 {
        %dma_wait3A_156 = arith.constant 0 : i32
        %dma_wait3A_157 = arith.constant 0 : i32
        %dma_wait3A_158 = tpu.memref_slice %arg6[%dma_wait3A_156, %dma_wait3A_157] : memref<4x256xi32, #tpu.memory_space<vmem>> -> memref<1x32xi32, #tpu.memory_space<vmem>>
        %dma_wait3A_159 = tpu.memref_squeeze %dma_wait3A_158 : memref<1x32xi32, #tpu.memory_space<vmem>> -> memref<32xi32, #tpu.memory_space<vmem>>
        %dma_wait3A_160 = arith.constant 0 : i32
        %dma_wait3A_161 = arith.constant 0 : i32
        %dma_wait3A_162 = tpu.memref_slice %arg4[%dma_wait3A_160, %dma_wait3A_161] : memref<100000x1024xf32, #tpu.memory_space<hbm>> -> memref<100000x1024xf32, #tpu.memory_space<hbm>>
        tpu.wait_indirect_dma semaphore(%arg12 : memref<!tpu.dma_semaphore, #tpu.memory_space<semaphore_mem>>) src(%dma_wait3A_162 : memref<100000x1024xf32, #tpu.memory_space<hbm>>) dst(%arg9 : memref<32x1024xf32, #tpu.memory_space<vmem>>)
        %parallel_loop3A = arith.constant 0 : i32
        %parallel_loop3A_163 = arith.constant 1024 : i32
        %parallel_loop3A_164 = arith.constant 1 : i32
        scf.for %parallel_loop3A_177 = %parallel_loop3A to %parallel_loop3A_163 step %parallel_loop3A_164  : i32 {
          %parallel_loop3A_178 = arith.constant 5 : i32
          %parallel_loop3A_179 = arith.shrsi %parallel_loop3A_177, %parallel_loop3A_178 : i32
          %parallel_loop3A_180 = arith.constant 31 : i32
          %parallel_loop3A_181 = arith.andi %parallel_loop3A_177, %parallel_loop3A_180 : i32
          %parallel_loop3A_182 = arith.constant 16 : i32
          %parallel_loop3A_183 = arith.muli %parallel_loop3A_181, %parallel_loop3A_182 : i32
          %parallel_loop3A_184 = arith.index_cast %parallel_loop3A_179 : i32 to index
          %parallel_loop3A_185 = arith.index_cast %parallel_loop3A_183 : i32 to index
          %parallel_loop3A_186 = tpu.vector_load %arg7[%parallel_loop3A_184, %parallel_loop3A_185] {strides = array<i32>} : memref<32x512xi32, #tpu.memory_space<vmem>>, vector<1x16xi32>,
          %parallel_loop3A_187 = vector.shape_cast %parallel_loop3A_186 : vector<1x16xi32> to vector<16xi32>
          %parallel_loop3A_188 = arith.constant 16 : i32
          %parallel_loop3A_189 = vector.broadcast %parallel_loop3A_188 : i32 to vector<16xi32>
          %parallel_loop3A_190 = arith.shli %parallel_loop3A_187, %parallel_loop3A_189 : vector<16xi32>
          %parallel_loop3A_191 = tpu.bitcast %parallel_loop3A_190 : vector<16xi32> -> vector<16xf32>
          %parallel_loop3A_192 = arith.constant -65536 : i32
          %parallel_loop3A_193 = vector.broadcast %parallel_loop3A_192 : i32 to vector<16xi32>
          %parallel_loop3A_194 = arith.andi %parallel_loop3A_187, %parallel_loop3A_193 : vector<16xi32>
          %parallel_loop3A_195 = tpu.bitcast %parallel_loop3A_194 : vector<16xi32> -> vector<16xf32>
          %parallel_loop3A_196 = arith.constant 2 : i32
          %parallel_loop3A_197 = arith.muli %parallel_loop3A_181, %parallel_loop3A_196 : i32
          %parallel_loop3A_198 = arith.constant 16 : i32
          %parallel_loop3A_199 = arith.muli %parallel_loop3A_197, %parallel_loop3A_198 : i32
          %parallel_loop3A_200 = arith.constant 2 : i32
          %parallel_loop3A_201 = arith.muli %parallel_loop3A_181, %parallel_loop3A_200 : i32
          %parallel_loop3A_202 = arith.constant 16 : i32
          %parallel_loop3A_203 = arith.muli %parallel_loop3A_201, %parallel_loop3A_202 : i32
          %parallel_loop3A_204 = arith.constant 16 : i32
          %parallel_loop3A_205 = arith.addi %parallel_loop3A_203, %parallel_loop3A_204 : i32
          %parallel_loop3A_206 = arith.index_cast %parallel_loop3A_179 : i32 to index
          %parallel_loop3A_207 = arith.index_cast %parallel_loop3A_199 : i32 to index
          %parallel_loop3A_208 = tpu.vector_load %arg9[%parallel_loop3A_206, %parallel_loop3A_207] {strides = array<i32>} : memref<32x1024xf32, #tpu.memory_space<vmem>>, vector<1x16xf32>,
          %parallel_loop3A_209 = vector.shape_cast %parallel_loop3A_208 : vector<1x16xf32> to vector<16xf32>
          %parallel_loop3A_210 = arith.constant 3.200000e+01 : f32
          %parallel_loop3A_211 = vector.broadcast %parallel_loop3A_210 : f32 to vector<16xf32>
          %parallel_loop3A_212 = arith.mulf %parallel_loop3A_209, %parallel_loop3A_211 : vector<16xf32>
          %parallel_loop3A_213 = arith.addf %parallel_loop3A_212, %parallel_loop3A_191 : vector<16xf32>
          %parallel_loop3A_214 = arith.index_cast %parallel_loop3A_179 : i32 to index
          %parallel_loop3A_215 = arith.index_cast %parallel_loop3A_199 : i32 to index
          %parallel_loop3A_216 = tpu.vector_load %arg9[%parallel_loop3A_214, %parallel_loop3A_215] {strides = array<i32>} : memref<32x1024xf32, #tpu.memory_space<vmem>>, vector<1x16xf32>,
          %parallel_loop3A_217 = vector.shape_cast %parallel_loop3A_216 : vector<1x16xf32> to vector<16xf32>
          %parallel_loop3A_218 = vector.shape_cast %parallel_loop3A_213 : vector<16xf32> to vector<1x16xf32>
          tpu.vector_store %arg9[%parallel_loop3A_214, %parallel_loop3A_215], %parallel_loop3A_218 {strides = array<i32>} : memref<32x1024xf32, #tpu.memory_space<vmem>>, vector<1x16xf32>,
          %parallel_loop3A_219 = arith.index_cast %parallel_loop3A_179 : i32 to index
          %parallel_loop3A_220 = arith.index_cast %parallel_loop3A_205 : i32 to index
          %parallel_loop3A_221 = tpu.vector_load %arg9[%parallel_loop3A_219, %parallel_loop3A_220] {strides = array<i32>} : memref<32x1024xf32, #tpu.memory_space<vmem>>, vector<1x16xf32>,
          %parallel_loop3A_222 = vector.shape_cast %parallel_loop3A_221 : vector<1x16xf32> to vector<16xf32>
          %parallel_loop3A_223 = arith.constant 3.200000e+01 : f32
          %parallel_loop3A_224 = vector.broadcast %parallel_loop3A_223 : f32 to vector<16xf32>
          %parallel_loop3A_225 = arith.mulf %parallel_loop3A_222, %parallel_loop3A_224 : vector<16xf32>
          %parallel_loop3A_226 = arith.addf %parallel_loop3A_225, %parallel_loop3A_195 : vector<16xf32>
          %parallel_loop3A_227 = arith.index_cast %parallel_loop3A_179 : i32 to index
          %parallel_loop3A_228 = arith.index_cast %parallel_loop3A_205 : i32 to index
          %parallel_loop3A_229 = tpu.vector_load %arg9[%parallel_loop3A_227, %parallel_loop3A_228] {strides = array<i32>} : memref<32x1024xf32, #tpu.memory_space<vmem>>, vector<1x16xf32>,
          %parallel_loop3A_230 = vector.shape_cast %parallel_loop3A_229 : vector<1x16xf32> to vector<16xf32>
          %parallel_loop3A_231 = vector.shape_cast %parallel_loop3A_226 : vector<16xf32> to vector<1x16xf32>
          tpu.vector_store %arg9[%parallel_loop3A_227, %parallel_loop3A_228], %parallel_loop3A_231 {strides = array<i32>} : memref<32x1024xf32, #tpu.memory_space<vmem>>, vector<1x16xf32>,
        } {sc.loop_unroll_factor = 4 : i64, sc.parallel_access}
        %and3A_165 = arith.constant 3 : i32
        %and3A_166 = arith.andi %add3A_83, %and3A_165 : i32
        %shift_right_arithmetic3A = arith.constant 2 : i32
        %shift_right_arithmetic3A_167 = arith.shrsi %add3A_83, %shift_right_arithmetic3A : i32
        %mul3A_168 = arith.constant 32 : i32
        %mul3A_169 = arith.muli %shift_right_arithmetic3A_167, %mul3A_168 : i32
        %add3A_170 = arith.addi %mul3A_2, %mul3A_169 : i32
        %dma_start3A_171 = arith.constant 0 : i32
        %dma_start3A_172 = tpu.memref_slice %arg5[%and3A_166, %add3A_170, %dma_start3A_171] : memref<4x8192x1024xf32, #tpu.memory_space<hbm>> -> memref<1x32x1024xf32, #tpu.memory_space<hbm>>
        %dma_start3A_173 = tpu.memref_squeeze %dma_start3A_172 : memref<1x32x1024xf32, #tpu.memory_space<hbm>> -> memref<32x1024xf32, #tpu.memory_space<hbm>>
        %dma_start3A_174 = arith.constant 0 : i32
        %dma_start3A_175 = tpu.memref_slice %arg5[%and3A_166, %add3A_170, %dma_start3A_174] : memref<4x8192x1024xf32, #tpu.memory_space<hbm>> -> memref<1x32x1024xf32, #tpu.memory_space<hbm>>
        %dma_start3A_176 = tpu.memref_squeeze %dma_start3A_175 : memref<1x32x1024xf32, #tpu.memory_space<hbm>> -> memref<32x1024xf32, #tpu.memory_space<hbm>>
        tpu.enqueue_dma source(%arg9 : memref<32x1024xf32, #tpu.memory_space<vmem>>) target(%dma_start3A_176 : memref<32x1024xf32, #tpu.memory_space<hbm>>) target_semaphore(%arg15 : memref<!tpu.dma_semaphore, #tpu.memory_space<semaphore_mem>>)
      } else {
      }
      %and3A_106 = arith.constant 3 : i32
      %and3A_107 = arith.andi %add3A_83, %and3A_106 : i32
      %eq3A_108 = arith.constant 3 : i32
      %eq3A_109 = arith.cmpi eq, %and3A_107, %eq3A_108 : i32
      %add3A_110 = arith.constant 1 : i32
      %add3A_111 = arith.addi %add3A_83, %add3A_110 : i32
      %lt3A_112 = arith.constant 32 : i32
      %lt3A_113 = arith.cmpi slt, %add3A_111, %lt3A_112 : i32
      %and3A_114 = arith.andi %eq3A_109, %lt3A_113 : i1
      %convert_element_type3A_115 = arith.extui %and3A_114 : i1 to i32
      %cond3A_116 = arith.constant 0 : i32
      %cond3A_117 = arith.cmpi ne, %convert_element_type3A_115, %cond3A_116 : i32
      scf.if %cond3A_117 {
        %add3A_156 = arith.constant 1 : i32
        %add3A_157 = arith.addi %add3A_83, %add3A_156 : i32
        %shift_right_arithmetic3A = arith.constant 2 : i32
        %shift_right_arithmetic3A_158 = arith.shrsi %add3A_157, %shift_right_arithmetic3A : i32
        %mul3A_159 = arith.constant 32 : i32
        %mul3A_160 = arith.muli %shift_right_arithmetic3A_158, %mul3A_159 : i32
        %add3A_161 = arith.addi %mul3A_2, %mul3A_160 : i32
        "tpu.region"() ({
          %run_scoped3A_162 = tpu.sem_alloc : memref<!tpu.dma_semaphore, #tpu.memory_space<semaphore_mem>>
          %dma_start3A_163 = arith.constant 0 : i32
          %dma_start3A_164 = tpu.memref_slice %arg3[%add3A_161, %dma_start3A_163] : memref<8192x512xi32, #tpu.memory_space<hbm>> -> memref<32x512xi32, #tpu.memory_space<hbm>>
          %dma_start3A_165 = arith.constant 0 : i32
          %dma_start3A_166 = tpu.memref_slice %arg3[%add3A_161, %dma_start3A_165] : memref<8192x512xi32, #tpu.memory_space<hbm>> -> memref<32x512xi32, #tpu.memory_space<hbm>>
          tpu.enqueue_dma source(%dma_start3A_166 : memref<32x512xi32, #tpu.memory_space<hbm>>) target(%arg7 : memref<32x512xi32, #tpu.memory_space<vmem>>) target_semaphore(%run_scoped3A_162 : memref<!tpu.dma_semaphore, #tpu.memory_space<semaphore_mem>>)
          %dma_wait3A_167 = arith.constant 0 : i32
          %dma_wait3A_168 = tpu.memref_slice %arg3[%add3A_161, %dma_wait3A_167] : memref<8192x512xi32, #tpu.memory_space<hbm>> -> memref<32x512xi32, #tpu.memory_space<hbm>>
          %dma_wait3A_169 = arith.constant 0 : i32
          %dma_wait3A_170 = tpu.memref_slice %arg3[%add3A_161, %dma_wait3A_169] : memref<8192x512xi32, #tpu.memory_space<hbm>> -> memref<32x512xi32, #tpu.memory_space<hbm>>
          tpu.wait_dma2 semaphore(%run_scoped3A_162 : memref<!tpu.dma_semaphore, #tpu.memory_space<semaphore_mem>>) src(%dma_wait3A_170 : memref<32x512xi32, #tpu.memory_space<hbm>>) dst(%arg7 : memref<32x512xi32, #tpu.memory_space<vmem>>)
          tpu.yield
        }) : () -> ()
      } else {
      }
      %mul3A_118 = arith.constant 3 : i32
      %mul3A_119 = arith.muli %scan3A_47, %mul3A_118 : i32
      %add3A_120 = arith.constant 2 : i32
      %add3A_121 = arith.addi %mul3A_119, %add3A_120 : i32
      %ge3A_122 = arith.constant 2 : i32
      %ge3A_123 = arith.cmpi sge, %add3A_121, %ge3A_122 : i32
      %add3A_124 = arith.constant 1 : i32
      %add3A_125 = arith.addi %add3A_121, %add3A_124 : i32
      %lt3A_126 = arith.constant 32 : i32
      %lt3A_127 = arith.cmpi slt, %add3A_125, %lt3A_126 : i32
      %and3A_128 = arith.andi %ge3A_123, %lt3A_127 : i1
      %convert_element_type3A_129 = arith.extui %and3A_128 : i1 to i32
      %cond3A_130 = arith.constant 0 : i32
      %cond3A_131 = arith.cmpi ne, %convert_element_type3A_129, %cond3A_130 : i32
      scf.if %cond3A_131 {
        %sub3A = arith.constant 2 : i32
        %sub3A_156 = arith.subi %add3A_121, %sub3A : i32
        %and3A_157 = arith.constant 3 : i32
        %and3A_158 = arith.andi %sub3A_156, %and3A_157 : i32
        %shift_right_arithmetic3A = arith.constant 2 : i32
        %shift_right_arithmetic3A_159 = arith.shrsi %sub3A_156, %shift_right_arithmetic3A : i32
        %mul3A_160 = arith.constant 32 : i32
        %mul3A_161 = arith.muli %shift_right_arithmetic3A_159, %mul3A_160 : i32
        %add3A_162 = arith.addi %mul3A_2, %mul3A_161 : i32
        %dma_wait3A_163 = arith.constant 0 : i32
        %dma_wait3A_164 = tpu.memref_slice %arg5[%and3A_158, %add3A_162, %dma_wait3A_163] : memref<4x8192x1024xf32, #tpu.memory_space<hbm>> -> memref<1x32x1024xf32, #tpu.memory_space<hbm>>
        %dma_wait3A_165 = tpu.memref_squeeze %dma_wait3A_164 : memref<1x32x1024xf32, #tpu.memory_space<hbm>> -> memref<32x1024xf32, #tpu.memory_space<hbm>>
        %dma_wait3A_166 = arith.constant 0 : i32
        %dma_wait3A_167 = tpu.memref_slice %arg5[%and3A_158, %add3A_162, %dma_wait3A_166] : memref<4x8192x1024xf32, #tpu.memory_space<hbm>> -> memref<1x32x1024xf32, #tpu.memory_space<hbm>>
        %dma_wait3A_168 = tpu.memref_squeeze %dma_wait3A_167 : memref<1x32x1024xf32, #tpu.memory_space<hbm>> -> memref<32x1024xf32, #tpu.memory_space<hbm>>
        tpu.wait_dma2 semaphore(%arg14 : memref<!tpu.dma_semaphore, #tpu.memory_space<semaphore_mem>>) src(%arg8 : memref<32x1024xf32, #tpu.memory_space<vmem>>) dst(%dma_wait3A_168 : memref<32x1024xf32, #tpu.memory_space<hbm>>)
      } else {
      }
      %add3A_132 = arith.constant 1 : i32
      %add3A_133 = arith.addi %add3A_121, %add3A_132 : i32
      %lt3A_134 = arith.constant 32 : i32
      %lt3A_135 = arith.cmpi slt, %add3A_133, %lt3A_134 : i32
      %convert_element_type3A_136 = arith.extui %lt3A_135 : i1 to i32
      %cond3A_137 = arith.constant 0 : i32
      %cond3A_138 = arith.cmpi ne, %convert_element_type3A_136, %cond3A_137 : i32
      scf.if %cond3A_138 {
        %add3A_156 = arith.constant 1 : i32
        %add3A_157 = arith.addi %add3A_121, %add3A_156 : i32
        %and3A_158 = arith.constant 3 : i32
        %and3A_159 = arith.andi %add3A_157, %and3A_158 : i32
        %shift_right_arithmetic3A = arith.constant 2 : i32
        %shift_right_arithmetic3A_160 = arith.shrsi %add3A_157, %shift_right_arithmetic3A : i32
        %mul3A_161 = arith.constant 32 : i32
        %mul3A_162 = arith.muli %shift_right_arithmetic3A_160, %mul3A_161 : i32
        %dma_start3A_163 = tpu.memref_slice %arg6[%and3A_159, %mul3A_162] : memref<4x256xi32, #tpu.memory_space<vmem>> -> memref<1x32xi32, #tpu.memory_space<vmem>>
        %dma_start3A_164 = tpu.memref_squeeze %dma_start3A_163 : memref<1x32xi32, #tpu.memory_space<vmem>> -> memref<32xi32, #tpu.memory_space<vmem>>
        %dma_start3A_165 = arith.constant 0 : i32
        %dma_start3A_166 = arith.constant 0 : i32
        %dma_start3A_167 = tpu.memref_slice %arg4[%dma_start3A_165, %dma_start3A_166] : memref<100000x1024xf32, #tpu.memory_space<hbm>> -> memref<100000x1024xf32, #tpu.memory_space<hbm>>
        tpu.enqueue_indirect_dma source(%dma_start3A_167 : memref<100000x1024xf32, #tpu.memory_space<hbm>>) target(%arg8 : memref<32x1024xf32, #tpu.memory_space<vmem>>) offsets(%dma_start3A_164 : memref<32xi32, #tpu.memory_space<vmem>>) semaphore(%arg11 : memref<!tpu.dma_semaphore, #tpu.memory_space<semaphore_mem>>)
      } else {
      }
      %lt3A_139 = arith.constant 32 : i32
      %lt3A_140 = arith.cmpi slt, %add3A_121, %lt3A_139 : i32
      %convert_element_type3A_141 = arith.extui %lt3A_140 : i1 to i32
      %cond3A_142 = arith.constant 0 : i32
      %cond3A_143 = arith.cmpi ne, %convert_element_type3A_141, %cond3A_142 : i32
      scf.if %cond3A_143 {
        %dma_wait3A_156 = arith.constant 0 : i32
        %dma_wait3A_157 = arith.constant 0 : i32
        %dma_wait3A_158 = tpu.memref_slice %arg6[%dma_wait3A_156, %dma_wait3A_157] : memref<4x256xi32, #tpu.memory_space<vmem>> -> memref<1x32xi32, #tpu.memory_space<vmem>>
        %dma_wait3A_159 = tpu.memref_squeeze %dma_wait3A_158 : memref<1x32xi32, #tpu.memory_space<vmem>> -> memref<32xi32, #tpu.memory_space<vmem>>
        %dma_wait3A_160 = arith.constant 0 : i32
        %dma_wait3A_161 = arith.constant 0 : i32
        %dma_wait3A_162 = tpu.memref_slice %arg4[%dma_wait3A_160, %dma_wait3A_161] : memref<100000x1024xf32, #tpu.memory_space<hbm>> -> memref<100000x1024xf32, #tpu.memory_space<hbm>>
        tpu.wait_indirect_dma semaphore(%arg13 : memref<!tpu.dma_semaphore, #tpu.memory_space<semaphore_mem>>) src(%dma_wait3A_162 : memref<100000x1024xf32, #tpu.memory_space<hbm>>) dst(%arg10 : memref<32x1024xf32, #tpu.memory_space<vmem>>)
        %parallel_loop3A = arith.constant 0 : i32
        %parallel_loop3A_163 = arith.constant 1024 : i32
        %parallel_loop3A_164 = arith.constant 1 : i32
        scf.for %parallel_loop3A_177 = %parallel_loop3A to %parallel_loop3A_163 step %parallel_loop3A_164  : i32 {
          %parallel_loop3A_178 = arith.constant 5 : i32
          %parallel_loop3A_179 = arith.shrsi %parallel_loop3A_177, %parallel_loop3A_178 : i32
          %parallel_loop3A_180 = arith.constant 31 : i32
          %parallel_loop3A_181 = arith.andi %parallel_loop3A_177, %parallel_loop3A_180 : i32
          %parallel_loop3A_182 = arith.constant 16 : i32
          %parallel_loop3A_183 = arith.muli %parallel_loop3A_181, %parallel_loop3A_182 : i32
          %parallel_loop3A_184 = arith.index_cast %parallel_loop3A_179 : i32 to index
          %parallel_loop3A_185 = arith.index_cast %parallel_loop3A_183 : i32 to index
          %parallel_loop3A_186 = tpu.vector_load %arg7[%parallel_loop3A_184, %parallel_loop3A_185] {strides = array<i32>} : memref<32x512xi32, #tpu.memory_space<vmem>>, vector<1x16xi32>,
          %parallel_loop3A_187 = vector.shape_cast %parallel_loop3A_186 : vector<1x16xi32> to vector<16xi32>
          %parallel_loop3A_188 = arith.constant 16 : i32
          %parallel_loop3A_189 = vector.broadcast %parallel_loop3A_188 : i32 to vector<16xi32>
          %parallel_loop3A_190 = arith.shli %parallel_loop3A_187, %parallel_loop3A_189 : vector<16xi32>
          %parallel_loop3A_191 = tpu.bitcast %parallel_loop3A_190 : vector<16xi32> -> vector<16xf32>
          %parallel_loop3A_192 = arith.constant -65536 : i32
          %parallel_loop3A_193 = vector.broadcast %parallel_loop3A_192 : i32 to vector<16xi32>
          %parallel_loop3A_194 = arith.andi %parallel_loop3A_187, %parallel_loop3A_193 : vector<16xi32>
          %parallel_loop3A_195 = tpu.bitcast %parallel_loop3A_194 : vector<16xi32> -> vector<16xf32>
          %parallel_loop3A_196 = arith.constant 2 : i32
          %parallel_loop3A_197 = arith.muli %parallel_loop3A_181, %parallel_loop3A_196 : i32
          %parallel_loop3A_198 = arith.constant 16 : i32
          %parallel_loop3A_199 = arith.muli %parallel_loop3A_197, %parallel_loop3A_198 : i32
          %parallel_loop3A_200 = arith.constant 2 : i32
          %parallel_loop3A_201 = arith.muli %parallel_loop3A_181, %parallel_loop3A_200 : i32
          %parallel_loop3A_202 = arith.constant 16 : i32
          %parallel_loop3A_203 = arith.muli %parallel_loop3A_201, %parallel_loop3A_202 : i32
          %parallel_loop3A_204 = arith.constant 16 : i32
          %parallel_loop3A_205 = arith.addi %parallel_loop3A_203, %parallel_loop3A_204 : i32
          %parallel_loop3A_206 = arith.index_cast %parallel_loop3A_179 : i32 to index
          %parallel_loop3A_207 = arith.index_cast %parallel_loop3A_199 : i32 to index
          %parallel_loop3A_208 = tpu.vector_load %arg10[%parallel_loop3A_206, %parallel_loop3A_207] {strides = array<i32>} : memref<32x1024xf32, #tpu.memory_space<vmem>>, vector<1x16xf32>,
          %parallel_loop3A_209 = vector.shape_cast %parallel_loop3A_208 : vector<1x16xf32> to vector<16xf32>
          %parallel_loop3A_210 = arith.constant 3.200000e+01 : f32
          %parallel_loop3A_211 = vector.broadcast %parallel_loop3A_210 : f32 to vector<16xf32>
          %parallel_loop3A_212 = arith.mulf %parallel_loop3A_209, %parallel_loop3A_211 : vector<16xf32>
          %parallel_loop3A_213 = arith.addf %parallel_loop3A_212, %parallel_loop3A_191 : vector<16xf32>
          %parallel_loop3A_214 = arith.index_cast %parallel_loop3A_179 : i32 to index
          %parallel_loop3A_215 = arith.index_cast %parallel_loop3A_199 : i32 to index
          %parallel_loop3A_216 = tpu.vector_load %arg10[%parallel_loop3A_214, %parallel_loop3A_215] {strides = array<i32>} : memref<32x1024xf32, #tpu.memory_space<vmem>>, vector<1x16xf32>,
          %parallel_loop3A_217 = vector.shape_cast %parallel_loop3A_216 : vector<1x16xf32> to vector<16xf32>
          %parallel_loop3A_218 = vector.shape_cast %parallel_loop3A_213 : vector<16xf32> to vector<1x16xf32>
          tpu.vector_store %arg10[%parallel_loop3A_214, %parallel_loop3A_215], %parallel_loop3A_218 {strides = array<i32>} : memref<32x1024xf32, #tpu.memory_space<vmem>>, vector<1x16xf32>,
          %parallel_loop3A_219 = arith.index_cast %parallel_loop3A_179 : i32 to index
          %parallel_loop3A_220 = arith.index_cast %parallel_loop3A_205 : i32 to index
          %parallel_loop3A_221 = tpu.vector_load %arg10[%parallel_loop3A_219, %parallel_loop3A_220] {strides = array<i32>} : memref<32x1024xf32, #tpu.memory_space<vmem>>, vector<1x16xf32>,
          %parallel_loop3A_222 = vector.shape_cast %parallel_loop3A_221 : vector<1x16xf32> to vector<16xf32>
          %parallel_loop3A_223 = arith.constant 3.200000e+01 : f32
          %parallel_loop3A_224 = vector.broadcast %parallel_loop3A_223 : f32 to vector<16xf32>
          %parallel_loop3A_225 = arith.mulf %parallel_loop3A_222, %parallel_loop3A_224 : vector<16xf32>
          %parallel_loop3A_226 = arith.addf %parallel_loop3A_225, %parallel_loop3A_195 : vector<16xf32>
          %parallel_loop3A_227 = arith.index_cast %parallel_loop3A_179 : i32 to index
          %parallel_loop3A_228 = arith.index_cast %parallel_loop3A_205 : i32 to index
          %parallel_loop3A_229 = tpu.vector_load %arg10[%parallel_loop3A_227, %parallel_loop3A_228] {strides = array<i32>} : memref<32x1024xf32, #tpu.memory_space<vmem>>, vector<1x16xf32>,
          %parallel_loop3A_230 = vector.shape_cast %parallel_loop3A_229 : vector<1x16xf32> to vector<16xf32>
          %parallel_loop3A_231 = vector.shape_cast %parallel_loop3A_226 : vector<16xf32> to vector<1x16xf32>
          tpu.vector_store %arg10[%parallel_loop3A_227, %parallel_loop3A_228], %parallel_loop3A_231 {strides = array<i32>} : memref<32x1024xf32, #tpu.memory_space<vmem>>, vector<1x16xf32>,
        } {sc.loop_unroll_factor = 4 : i64, sc.parallel_access}
        %and3A_165 = arith.constant 3 : i32
        %and3A_166 = arith.andi %add3A_121, %and3A_165 : i32
        %shift_right_arithmetic3A = arith.constant 2 : i32
        %shift_right_arithmetic3A_167 = arith.shrsi %add3A_121, %shift_right_arithmetic3A : i32
        %mul3A_168 = arith.constant 32 : i32
        %mul3A_169 = arith.muli %shift_right_arithmetic3A_167, %mul3A_168 : i32
        %add3A_170 = arith.addi %mul3A_2, %mul3A_169 : i32
        %dma_start3A_171 = arith.constant 0 : i32
        %dma_start3A_172 = tpu.memref_slice %arg5[%and3A_166, %add3A_170, %dma_start3A_171] : memref<4x8192x1024xf32, #tpu.memory_space<hbm>> -> memref<1x32x1024xf32, #tpu.memory_space<hbm>>
        %dma_start3A_173 = tpu.memref_squeeze %dma_start3A_172 : memref<1x32x1024xf32, #tpu.memory_space<hbm>> -> memref<32x1024xf32, #tpu.memory_space<hbm>>
        %dma_start3A_174 = arith.constant 0 : i32
        %dma_start3A_175 = tpu.memref_slice %arg5[%and3A_166, %add3A_170, %dma_start3A_174] : memref<4x8192x1024xf32, #tpu.memory_space<hbm>> -> memref<1x32x1024xf32, #tpu.memory_space<hbm>>
        %dma_start3A_176 = tpu.memref_squeeze %dma_start3A_175 : memref<1x32x1024xf32, #tpu.memory_space<hbm>> -> memref<32x1024xf32, #tpu.memory_space<hbm>>
        tpu.enqueue_dma source(%arg10 : memref<32x1024xf32, #tpu.memory_space<vmem>>) target(%dma_start3A_176 : memref<32x1024xf32, #tpu.memory_space<hbm>>) target_semaphore(%arg16 : memref<!tpu.dma_semaphore, #tpu.memory_space<semaphore_mem>>)
      } else {
      }
      %and3A_144 = arith.constant 3 : i32
      %and3A_145 = arith.andi %add3A_121, %and3A_144 : i32
      %eq3A_146 = arith.constant 3 : i32
      %eq3A_147 = arith.cmpi eq, %and3A_145, %eq3A_146 : i32
      %add3A_148 = arith.constant 1 : i32
      %add3A_149 = arith.addi %add3A_121, %add3A_148 : i32
      %lt3A_150 = arith.constant 32 : i32
      %lt3A_151 = arith.cmpi slt, %add3A_149, %lt3A_150 : i32
      %and3A_152 = arith.andi %eq3A_147, %lt3A_151 : i1
      %convert_element_type3A_153 = arith.extui %and3A_152 : i1 to i32
      %cond3A_154 = arith.constant 0 : i32
      %cond3A_155 = arith.cmpi ne, %convert_element_type3A_153, %cond3A_154 : i32
      scf.if %cond3A_155 {
        %add3A_156 = arith.constant 1 : i32
        %add3A_157 = arith.addi %add3A_121, %add3A_156 : i32
        %shift_right_arithmetic3A = arith.constant 2 : i32
        %shift_right_arithmetic3A_158 = arith.shrsi %add3A_157, %shift_right_arithmetic3A : i32
        %mul3A_159 = arith.constant 32 : i32
        %mul3A_160 = arith.muli %shift_right_arithmetic3A_158, %mul3A_159 : i32
        %add3A_161 = arith.addi %mul3A_2, %mul3A_160 : i32
        "tpu.region"() ({
          %run_scoped3A_162 = tpu.sem_alloc : memref<!tpu.dma_semaphore, #tpu.memory_space<semaphore_mem>>
          %dma_start3A_163 = arith.constant 0 : i32
          %dma_start3A_164 = tpu.memref_slice %arg3[%add3A_161, %dma_start3A_163] : memref<8192x512xi32, #tpu.memory_space<hbm>> -> memref<32x512xi32, #tpu.memory_space<hbm>>
          %dma_start3A_165 = arith.constant 0 : i32
          %dma_start3A_166 = tpu.memref_slice %arg3[%add3A_161, %dma_start3A_165] : memref<8192x512xi32, #tpu.memory_space<hbm>> -> memref<32x512xi32, #tpu.memory_space<hbm>>
          tpu.enqueue_dma source(%dma_start3A_166 : memref<32x512xi32, #tpu.memory_space<hbm>>) target(%arg7 : memref<32x512xi32, #tpu.memory_space<vmem>>) target_semaphore(%run_scoped3A_162 : memref<!tpu.dma_semaphore, #tpu.memory_space<semaphore_mem>>)
          %dma_wait3A_167 = arith.constant 0 : i32
          %dma_wait3A_168 = tpu.memref_slice %arg3[%add3A_161, %dma_wait3A_167] : memref<8192x512xi32, #tpu.memory_space<hbm>> -> memref<32x512xi32, #tpu.memory_space<hbm>>
          %dma_wait3A_169 = arith.constant 0 : i32
          %dma_wait3A_170 = tpu.memref_slice %arg3[%add3A_161, %dma_wait3A_169] : memref<8192x512xi32, #tpu.memory_space<hbm>> -> memref<32x512xi32, #tpu.memory_space<hbm>>
          tpu.wait_dma2 semaphore(%run_scoped3A_162 : memref<!tpu.dma_semaphore, #tpu.memory_space<semaphore_mem>>) src(%dma_wait3A_170 : memref<32x512xi32, #tpu.memory_space<hbm>>) dst(%arg7 : memref<32x512xi32, #tpu.memory_space<vmem>>)
          tpu.yield
        }) : () -> ()
      } else {
      }
    }
    %scan3A_20 = arith.constant 11 : i32
    %add3A_21 = arith.constant 224 : i32
    %add3A_22 = arith.addi %mul3A_2, %add3A_21 : i32
    %dma_wait3A = arith.constant 1 : i32
    %dma_wait3A_23 = arith.constant 0 : i32
    %dma_wait3A_24 = tpu.memref_slice %arg5[%dma_wait3A, %add3A_22, %dma_wait3A_23] : memref<4x8192x1024xf32, #tpu.memory_space<hbm>> -> memref<1x32x1024xf32, #tpu.memory_space<hbm>>
    %dma_wait3A_25 = tpu.memref_squeeze %dma_wait3A_24 : memref<1x32x1024xf32, #tpu.memory_space<hbm>> -> memref<32x1024xf32, #tpu.memory_space<hbm>>
    %dma_wait3A_26 = arith.constant 0 : i32
    %dma_wait3A_27 = tpu.memref_slice %arg5[%dma_wait3A, %add3A_22, %dma_wait3A_26] : memref<4x8192x1024xf32, #tpu.memory_space<hbm>> -> memref<1x32x1024xf32, #tpu.memory_space<hbm>>
    %dma_wait3A_28 = tpu.memref_squeeze %dma_wait3A_27 : memref<1x32x1024xf32, #tpu.memory_space<hbm>> -> memref<32x1024xf32, #tpu.memory_space<hbm>>
    tpu.wait_dma2 semaphore(%arg16 : memref<!tpu.dma_semaphore, #tpu.memory_space<semaphore_mem>>) src(%arg10 : memref<32x1024xf32, #tpu.memory_space<vmem>>) dst(%dma_wait3A_28 : memref<32x1024xf32, #tpu.memory_space<hbm>>)
    %add3A_29 = arith.constant 224 : i32
    %add3A_30 = arith.addi %mul3A_2, %add3A_29 : i32
    %dma_wait3A_31 = arith.constant 2 : i32
    %dma_wait3A_32 = arith.constant 0 : i32
    %dma_wait3A_33 = tpu.memref_slice %arg5[%dma_wait3A_31, %add3A_30, %dma_wait3A_32] : memref<4x8192x1024xf32, #tpu.memory_space<hbm>> -> memref<1x32x1024xf32, #tpu.memory_space<hbm>>
    %dma_wait3A_34 = tpu.memref_squeeze %dma_wait3A_33 : memref<1x32x1024xf32, #tpu.memory_space<hbm>> -> memref<32x1024xf32, #tpu.memory_space<hbm>>
    %dma_wait3A_35 = arith.constant 0 : i32
    %dma_wait3A_36 = tpu.memref_slice %arg5[%dma_wait3A_31, %add3A_30, %dma_wait3A_35] : memref<4x8192x1024xf32, #tpu.memory_space<hbm>> -> memref<1x32x1024xf32, #tpu.memory_space<hbm>>
    %dma_wait3A_37 = tpu.memref_squeeze %dma_wait3A_36 : memref<1x32x1024xf32, #tpu.memory_space<hbm>> -> memref<32x1024xf32, #tpu.memory_space<hbm>>
    tpu.wait_dma2 semaphore(%arg14 : memref<!tpu.dma_semaphore, #tpu.memory_space<semaphore_mem>>) src(%arg8 : memref<32x1024xf32, #tpu.memory_space<vmem>>) dst(%dma_wait3A_37 : memref<32x1024xf32, #tpu.memory_space<hbm>>)
    %add3A_38 = arith.constant 224 : i32
    %add3A_39 = arith.addi %mul3A_2, %add3A_38 : i32
    %dma_wait3A_40 = arith.constant 3 : i32
    %dma_wait3A_41 = arith.constant 0 : i32
    %dma_wait3A_42 = tpu.memref_slice %arg5[%dma_wait3A_40, %add3A_39, %dma_wait3A_41] : memref<4x8192x1024xf32, #tpu.memory_space<hbm>> -> memref<1x32x1024xf32, #tpu.memory_space<hbm>>
    %dma_wait3A_43 = tpu.memref_squeeze %dma_wait3A_42 : memref<1x32x1024xf32, #tpu.memory_space<hbm>> -> memref<32x1024xf32, #tpu.memory_space<hbm>>
    %dma_wait3A_44 = arith.constant 0 : i32
    %dma_wait3A_45 = tpu.memref_slice %arg5[%dma_wait3A_40, %add3A_39, %dma_wait3A_44] : memref<4x8192x1024xf32, #tpu.memory_space<hbm>> -> memref<1x32x1024xf32, #tpu.memory_space<hbm>>
    %dma_wait3A_46 = tpu.memref_squeeze %dma_wait3A_45 : memref<1x32x1024xf32, #tpu.memory_space<hbm>> -> memref<32x1024xf32, #tpu.memory_space<hbm>>
    tpu.wait_dma2 semaphore(%arg15 : memref<!tpu.dma_semaphore, #tpu.memory_space<semaphore_mem>>) src(%arg9 : memref<32x1024xf32, #tpu.memory_space<vmem>>) dst(%dma_wait3A_46 : memref<32x1024xf32, #tpu.memory_space<hbm>>)
    return
  }
}

</mosaic_0001>

<sc_bundles>
// kernel: kernel.3.cloned.1.call-start
scs
__scs_entry_jumppad:
0x0: {  	(pc) =	sbr.rel $0x88, $3  }
0x1: {  	(tag) =	ssettag $0x0;
	lr =	simm.s32 $0x1  }
0x2: {  	[smem:$0x3F9F] =	sst lr;
	_ =	strace $0xD0000000  }
0x3: {  	_ = 	snop  }
0x4: {  	_ = 	snop  }
0x5: {  	_ = 	snop  }
0x6: {  	_ = 	snop  }
0x7: {  	_ = 	snop  }
__scs_overlays_trampoline_lowered:
0x8: {  	[smem:$0x3FAE] =	sst s0  }
0x9: {  	[smem:$0x3FAF] =	sst s1  }
0xa: {  	[smem:$0x3FB0] =	sst s2  }
0xb: {  	[smem:$0x3FB1] =	sst s3  }
0xc: {  	[smem:$0x3FB2] =	sst s4  }
0xd: {  	[smem:$0x3FB3] =	sst s5  }
0xe: {  	[smem:$0x3FB4] =	sst s6  }
0xf: {  	[smem:$0x3FB5] =	sst s7  }
0x10: {  	[smem:$0x3FB6] =	sst s8  }
0x11: {  	[smem:$0x3FB7] =	sst s9;
	s0 =	simm.s32 @!p0 $0x0  }
0x12: {  	s1 =	sld [smem:$0x3F9D];
	s0 =	simm.s32 @p0 $0x1  }
0x13: {  	[smem:$0x3FB8] =	sst s0;
	s0 =	simm.s32 @!p1 $0x0  }
0x14: {  	s2 =	sld [smem:$0x3F9C];
	s0 =	simm.s32 @p1 $0x1  }
0x15: {  	[smem:$0x3FB9] =	sst s0;
	s0 =	simm.s32 @!p2 $0x0  }
0x16: {  	s3 =	sld [smem:$0x3FDB];
	s0 =	simm.s32 @p2 $0x1  }
0x17: {  	s4 =	simm.s32 $0x1BF5;
	[smem:$0x3FBB] =	sst s0  }
0x18: {  	s0 =	sld [smem:$0x3F9E];
	_ =	swait.ge [sflag:s4], $0x0  }
0x19: {  	s7 =	sld [smem:$0x3F9F]  }
0x1a: {  	s8 =	sadd.s32 $0xFFFFE003, lr  }
0x1b: {  	s9 =	sadd.s32 $0xFFFFFEF7, lr;
	s5 =	simm.s32 $0xFFFFFFFF;
	p2 =	slt.u32 s8, $0xFFFFF086  }
0x1c: {  	p1 =	slt.u32 s9, $0xF7A;
	s5 =	simm.s32 @!p2 $0x0  }
0x1d: {  	s5 =	simm.s32 @p1 $0x1;
	p0 =	seq.s32 s7, s2  }
0x1e: {  	s7 =	smul.u32 @!p0 $0xF7A, s2;
	p2 =	seq.s32 @!p0 s5, $0x0  }
0x1f: {  	s9 =	smul.u32 $0xF7A, s1;
	s8 =	simm.s32 @!p0 $0x1BF5;
	p2 =	por !p2, p0  }
0x20: {  	[sflag:s8] =	ssyncset.s32 @!p0 $0xFFFFF086;
	s6 =	sadd.s32 @!p0 s3, s7;
	s7 =	simm.s32 @!p0 $0x108  }
0x21: {  	s3 =	sadd.s32 s3, s9;
	s6 =	sadd.s32 @!p0 $0x88, s6;
	s7 =	simm.s32 @p2 $0x1082  }
0x22: {  	[simem:s7], [sflag:s8] =	dma.local @!p0 [hbm:s6], $0xF7A  }
0x23: {  	s9 =	sor.u32 $0xD0000000, s2;
	s6 =	simm.s32 $0x108;
	_ =	swait.ge @!p0 [sflag:s8], $0x0  }
0x24: {  	s3 =	sadd.s32 $0x88, s3;
	s6 =	simm.s32 @!p1 $0x1082;
	[sflag:s4] =	ssyncset.s32 $0xFFFFF086  }
0x25: {  	[simem:s6], [sflag:s4] =	dma.local [hbm:s3], $0xF7A  }
0x26: {  	[smem:$0x3F9F] =	sst s1;
	(tag) =	ssettag s2;
	_ =	strace s9  }
0x27: {  	s1 =	sld [smem:$0x3FAF]  }
0x28: {  	s2 =	sld [smem:$0x3FB0]  }
0x29: {  	s4 =	sld [smem:$0x3FB2]  }
0x2a: {  	p0 =	seq.s32 s5, $0x0;
	s5 =	sld [smem:$0x3FB3]  }
0x2b: {  	s6 =	sld [smem:$0x3FB4]  }
0x2c: {  	s7 =	sld [smem:$0x3FB5]  }
0x2d: {  	s3 =	simm.s32 $0x108;
	s8 =	sld [smem:$0x3FB6]  }
0x2e: {  	s3 =	simm.s32 @!p0 $0x1082;
	s9 =	sld [smem:$0x3FB7]  }
0x2f: {  	lr =	sadd.s32 s0, s3;
	s0 =	sld [smem:$0x3FAE]  }
0x30: {  	s3 =	sld [smem:$0x3FB1]  }
0x31: {  	[smem:$0x3FBA] =	sst s10  }
0x32: {  	s10 =	sld [smem:$0x3FB8];
	_ =	sdelay $0x3  }
0x33: {  	p0 =	seq.s32 s10, $0x1;
	s10 =	sld [smem:$0x3FBA];
	_ =	sdelay $0x3  }
0x34: {  	[smem:$0x3FBA] =	sst s10  }
0x35: {  	s10 =	sld [smem:$0x3FB9];
	_ =	sdelay $0x3  }
0x36: {  	p1 =	seq.s32 s10, $0x1;
	s10 =	sld [smem:$0x3FBA];
	_ =	sdelay $0x3  }
0x37: {  	[smem:$0x3FBA] =	sst s10  }
0x38: {  	s10 =	sld [smem:$0x3FBB]  }
0x39: {  	_ = 	snop;
	(pc) =	sbr.ind lr, $3  }
0x3a: {  	_ = 	snop  }
0x3b: {  	_ = 	snop  }
0x3c: {  	p2 =	seq.s32 s10, $0x1;
	s10 =	sld [smem:$0x3FBA]  }
0x3d: {  	_ =	shalt  }
0x3e: {  	_ =	shalt  }
0x3f: {  	_ =	shalt  }
0x40: {  	_ =	shalt  }
0x41: {  	_ =	shalt  }
0x42: {  	_ =	shalt  }
0x43: {  	_ =	shalt  }
0x44: {  	_ =	shalt  }
0x45: {  	_ =	shalt  }
0x46: {  	_ =	shalt  }
0x47: {  	_ =	shalt  }
0x48: {  	_ =	shalt  }
0x49: {  	_ =	shalt  }
0x4a: {  	_ =	shalt  }
0x4b: {  	_ =	shalt  }
0x4c: {  	_ =	shalt  }
0x4d: {  	_ =	shalt  }
0x4e: {  	_ =	shalt  }
0x4f: {  	_ =	shalt  }
0x50: {  	_ =	shalt  }
0x51: {  	_ =	shalt  }
0x52: {  	_ =	shalt  }
0x53: {  	_ =	shalt  }
0x54: {  	_ =	shalt  }
0x55: {  	_ =	shalt  }
0x56: {  	_ =	shalt  }
0x57: {  	_ =	shalt  }
0x58: {  	_ =	shalt  }
0x59: {  	_ =	shalt  }
0x5a: {  	_ =	shalt  }
0x5b: {  	_ =	shalt  }
0x5c: {  	_ =	shalt  }
0x5d: {  	_ =	shalt  }
0x5e: {  	_ =	shalt  }
0x5f: {  	_ =	shalt  }
0x60: {  	_ =	shalt  }
0x61: {  	_ =	shalt  }
0x62: {  	_ =	shalt  }
0x63: {  	_ =	shalt  }
0x64: {  	_ =	shalt  }
0x65: {  	_ =	shalt  }
0x66: {  	_ =	shalt  }
0x67: {  	_ =	shalt  }
0x68: {  	_ =	shalt  }
0x69: {  	_ =	shalt  }
0x6a: {  	_ =	shalt  }
0x6b: {  	_ =	shalt  }
0x6c: {  	_ =	shalt  }
0x6d: {  	_ =	shalt  }
0x6e: {  	_ =	shalt  }
0x6f: {  	_ =	shalt  }
0x70: {  	_ =	shalt  }
0x71: {  	_ =	shalt  }
0x72: {  	_ =	shalt  }
0x73: {  	_ =	shalt  }
0x74: {  	_ =	shalt  }
0x75: {  	_ =	shalt  }
0x76: {  	_ =	shalt  }
0x77: {  	_ =	shalt  }
0x78: {  	_ =	shalt  }
0x79: {  	_ =	shalt  }
0x7a: {  	_ =	shalt  }
0x7b: {  	_ =	shalt  }
0x7c: {  	_ =	shalt  }
0x7d: {  	_ =	shalt  }
0x7e: {  	_ =	shalt  }
0x7f: {  	_ =	shalt  }
0x80: {  	_ =	shalt  }
0x81: {  	_ =	shalt  }
0x82: {  	_ =	shalt  }
0x83: {  	_ =	shalt  }
0x84: {  	_ =	shalt  }
0x85: {  	_ =	shalt  }
0x86: {  	_ =	shalt  }
0x87: {  	_ =	shalt  }
.Lfunc_end0:
.L_simem_size_0:
called_computation_lowered:
.L_overlay_start_0:
0x88: {  	s2 =	sld [smem:$0x3FD9]  }
0x89: {  	s3 =	sld [smem:$0x3FFE];
	_ =	sdelay $0x1  }
0x8a: {  	s1 =	srdreg.scid  }
0x8b: {  	s0 =	sand.u32 $0x1, s1  }
0x8c: {  	s17 =	sshll.u32 s0, $0xA;
	s2 =	sadd.s32 s3, s2  }
0x8d: {  	s2 =	sadd.s32 s2, s17  }
0x8e: {  	[smem:$0x3FC6] =	sst s2  }
0x8f: {  	_ = 	snop  }
0x90: {  	s2 =	sld [smem:$0x3FC9]  }
0x91: {  	s18 =	sld [smem:$0x3FC8]  }
0x92: {  	s4 =	sld [smem:$0x3FD0];
	(tm) =	ssettm $0x1  }
0x93: {  	s5 =	sld [smem:$0x3FFB];
	_ =	sdelay $0x3  }
0x94: {  	_ =	strace s5  }
0x95: {  	s5 =	sld [smem:$0x3FFC];
	_ =	sdelay $0x3  }
0x96: {  	_ =	strace s5  }
0x97: {  	s5 =	sld [smem:$0x3FFD];
	_ =	sdelay $0x3  }
0x98: {  	_ =	strace s5  }
0x99: {  	_ =	strace $0x8FFFFFFF  }
0x9a: {  	s19 =	sld [smem:$0x3FDB];
	_ =	sdelay $0x1  }
0x9b: {  	s6 =	simm.s32 $_scs_section_size  }
0x9c: {  	s7 =	simm.s32 $_size__tile_overlayer_lowered;
	s8 =	simm.s32 $_tile_overlayer_lowered  }
0x9d: {  	s22 =	simm.s32 $0x1BFF;
	s21 =	sshll.u32 s8, $0x1;
	s5 =	sadd.s32 s6, s19  }
0x9e: {  	s9 =	simm.s32 $0x0;
	s20 =	sshll.u32 s7, $0x1;
	s7 =	sadd.s32 s21, s5  }
0x9f: {  	[timem:s9], [sflag:s22] =	dma.local [hbm:s7], s20  }
0xa0: {  	_ =	swait.ge [sflag:s22], s20  }
0xa1: {  	s6 =	ssub.s32 $0x0, s20;
	[sflag:s22] =	ssyncset.done $0x0  }
0xa2: {  	[sflag:s22] =	ssyncadd.s32 s6;
	_ =	sdelay $0x1  }
0xa3: {  	s23 =	simm.s32 $0x1B8B  }
0xa4: {  	_ =	swait.ge [sflag:s23], $0x1  }
0xa5: {  	[sflag:s23] =	ssyncset.done $0x0  }
0xa6: {  	s25 =	simm.s32 $0x1B8E;
	s24 =	sld [smem:$0x3FFE];
	[sflag:s23] =	ssyncadd.s32 $0xFFFFFFFF  }
0xa7: {  	s26 =	simm.s32 $execute0_lowered;
	[smem:$0x3FD2] =	sst s25  }
0xa8: {  	s7 =	sshll.u32 s26, $0x1;
	_ =	strace $0x80000046;
	[dreg:$0x1] =	wrdreg $0xFFFFFFFF  }
0xa9: {  	s28 =	simm.s32 $_size_execute0_lowered;
	s5 =	sadd.s32 s5, s7;
	[dreg:$0x0] =	wrdreg $0x0  }
0xaa: {  	s7 =	sshll.u32 s28, $0x1;
	[dreg:$0x2] =	wrdreg s5  }
0xab: {  	[dreg:$0x3] =	wrdreg s7  }
0xac: {  	[dreg:$0x4] =	wrdreg $0xC0  }
0xad: {  	_ =	task [dreg:s9], $0x5FFFF  }
0xae: {  	[dreg:$0x1] =	wrdreg $0xFFFFFFFF  }
0xaf: {  	[dreg:$0x0] =	wrdreg $0x60  }
0xb0: {  	[dreg:$0x2] =	wrdreg s2  }
0xb1: {  	[dreg:$0x3] =	wrdreg s24  }
0xb2: {  	[dreg:$0x4] =	wrdreg s18  }
0xb3: {  	[dreg:$0x5] =	wrdreg s4  }
0xb4: {  	[dreg:$0x6] =	wrdreg $0x9  }
0xb5: {  	_ =	task.clear_ibuf [dreg:s9], $0x7FFFF;
	_ =	strace $0x90000046  }
0xb6: {  	s29 =	simm.s32 $0x9;
	_ =	strace $0x80000048  }
0xb7: {  	_ =	swait.ge [sflag:s29], $0x1  }
0xb8: {  	[sflag:s29] =	ssyncadd.s32 $0xFFFFFFFF  }
0xb9: {  	_ =	strace $0x90000048  }
0xba: {  	_ =	sfence  }
0xbb: {  	s30 =	sld [smem:$0x0];
	_ =	sdelay $0x2  }
0xbc: {  	s31 =	sshll.u32 s1, $0xD;
	s1 =	sshrl.u32 s1, $0x2  }
0xbd: {  	s3 =	sand.u32 $0x4000, s31;
	s1 =	sadd.s32 s1, s30  }
0xbe: {  	s0 =	sor.u32 s3, s0;
	s1 =	sshll.u32 s1, $0x11  }
0xbf: {  	s0 =	sor.u32 s1, s0  }
0xc0: {  	s0 =	sadd.s32 $0x8F2B, s0  }
0xc1: {  	[sflag:s0] =	ssyncadd.remote.s32 $0x1  }
0xc2: {  	_ =	sfence.sel $0xFFFF  }
0xc3: {  	[dreg:$0x0] =	wrdreg $0xFFFFFFFF;
	(pc) =	sbr.abs _section_cstart, $3  }
0xc4: {  	[dreg:$0x1] =	wrdreg $0xFFFFFFFF  }
0xc5: {  	_ =	task.clear_ibuf [dreg:s9], $0x2FFFF;
	_ =	strace $0x9FFFFFFF  }
0xc6: {  	(tm) =	ssettm $0x7FFFFFFF  }
0xc7: {  	_ =	shalt  }
tec
execute0_lowered:
.L_overlay_start_1:
0x0: {  	(tag) =	ssettag $0x1  }
0x1: {  	s0 =	rddreg [dreg:$0x0]  }
0x2: {  	s1 =	rddreg [dreg:$0x1];
	s3 =	srdreg.scid  }
0x3: {  	s2 =	rddreg [dreg:$0x2];
	s4 =	stileid.u32;
	s6 =	sand.u32 $0x1, s3  }
0x4: {  	s3 =	rddreg [dreg:$0x3];
	s5 =	sshll.u32 s4, $0x9;
	s4 =	simm.s32 $0x0  }
0x5: {  	s7 =	sshll.u32 s6, $0x8;
	[smem:$0x7FF] =	sst s4;
	s6 =	ssub.s32 $0x2, s6  }
0x6: {  	s5 =	sor.u32 s7, s5;
	_ =	strace $0x80000047;
	s8 =	sshrl.u32 s6, $0x1  }
0x7: {  	s7 =	sshrl.u32 s5, $0x1;
	s20 =	ssub.s32 s6, s8;
	s24 =	sshrl.u32 s5, $0x3  }
0x8: {  	s9 =	sadd.s32 s0, s7;
	[dreg:$0xa] =	wrdreg s24;
	s0 =	smax.u32 s20, $0x1  }
0x9: {  	s23 =	sshll.u32 s5, $0x6;
	s7 =	sadd.s32 $0x400, s1;
	[dreg:$0xb] =	wrdreg s0  }
0xa: {  	s31 =	simm.s32 $0xC400;
	s1 =	sadd.s32 s7, s23;
	[dreg:$0x5] =	wrdreg s9  }
0xb: {  	s16 =	simm.s32 $0x1;
	s25 =	sadd.s32 $0x40, s9;
	[dreg:$0x9] =	wrdreg s1  }
0xc: {  	s28 =	simm.s32 $0x4;
	s21 =	sadd.s32 $0x10, s9;
	[dreg:$0xc] =	wrdreg s25  }
0xd: {  	s12 =	sadd.s32 $0x100, s2;
	s22 =	sadd.s32 $0x20, s9;
	[dreg:$0x6] =	wrdreg s21  }
.Ltmp0:
0xe: {  	s10 =	sadd.s32 $0x30, s9;
	[dreg:$0x7] =	wrdreg s22;
	(pc) =	sbr.rel .LBB2_1-.Ltmp0, $4  }
0xf: {  	s13 =	sadd.s32 $0x200, s2;
	s26 =	sadd.s32 $0x40, s21;
	[dreg:$0x8] =	wrdreg s10  }
0x10: {  	v2 =	vlaneseq.u32;
	s14 =	sadd.s32 $0x300, s2;
	s29 =	sadd.s32 $0x40, s22;
	[dreg:$0xd] =	wrdreg s26  }
0x11: {  	vm0 =	vmmov $0xffff;
	v1 =	vshrl.u32 v2, $0x3;
	s6 =	simm.s32 $0x0;
	s30 =	sadd.s32 $0x40, s10;
	[dreg:$0xe] =	wrdreg s29  }
0x12: {  	v0 =	vand.u32 $0x7, v2;
	v2 =	vor.u32 $0x8, v2;
	v1 =	vmul.u32 $0x8, v1;
	s9 =	simm.s32 $0x3;
	s21 =	simm.s32 $0x2;
	[dreg:$0xf] =	wrdreg s30  }
.LBB2_16:
0x13: {  	s0 =	simm.s32 $0x6  }
0x14: {  	_ =	swait.ge [sflag:s0], $0x8000  }
0x15: {  	[sflag:s0] =	ssyncset.done $0x0  }
0x16: {  	[sflag:s0] =	ssyncadd.s32 $0xFFFF8000  }
0x17: {  	_ =	swait.ge [sflag:s28], $0x8000  }
0x18: {  	[sflag:s28] =	ssyncset.done $0x0  }
0x19: {  	s1 =	simm.s32 $0x5;
	[sflag:s28] =	ssyncadd.s32 $0xFFFF8000  }
0x1a: {  	_ =	swait.ge [sflag:s1], $0x8000  }
0x1b: {  	s6 =	rddreg [dreg:$0x10]  }
0x1c: {  	s30 =	rddreg [dreg:$0xb];
	s6 =	sadd.s32 $0x1, s6  }
0x1d: {  	p0 =	sne.s32 s6, s30  }
.Ltmp1:
0x1e: {  	_ = 	snop;
	(pc) =	sbr.rel @!p0 .LBB2_17-.Ltmp1, $3  }
0x1f: {  	_ =	sdelay $0x1  }
0x20: {  	[sflag:s1] =	ssyncset.done $0x0  }
0x21: {  	[sflag:s1] =	ssyncadd.s32 $0xFFFF8000  }
.LBB2_1:
0x22: {  	[dreg:$0x10] =	wrdreg s6  }
0x23: {  	s0 =	rddreg [dreg:$0x5]  }
0x24: {  	[tilespmem:s4], [sflag:$0x7] =	stream.linear.gather [hbm4b:s0+s4], $0x80, $0x38;
	[tilespmem:$0x1C400] =	vst v63  }
0x25: {  	s6 =	rddreg [dreg:$0xc];
	s1 =	simm.s32 $0x200;
	s8 =	simm.s32 $0x7  }
0x26: {  	[tilespmem:s1], [sflag:$0x7] =	stream.linear.gather [hbm4b:s6+s4], $0x80, $0x38;
	[tilespmem:$0x1C400] =	vst v63  }
0x27: {  	_ =	swait.ge [sflag:s8], $0x100  }
0x28: {  	[sflag:s8] =	ssyncset.done $0x0  }
0x29: {  	s11 =	simm.s32 $0x80;
	s10 =	rddreg [dreg:$0x6];
	[sflag:s8] =	ssyncadd.s32 $0xFFFFFF00  }
0x2a: {  	[tilespmem:s11], [sflag:$0x7] =	stream.linear.gather [hbm4b:s10+s4], $0x80, $0x38;
	[tilespmem:$0x1C400] =	vst v63  }
0x2b: {  	s17 =	simm.s32 $0x280;
	s15 =	rddreg [dreg:$0xd]  }
0x2c: {  	[tilespmem:s17], [sflag:$0x7] =	stream.linear.gather [hbm4b:s15+s4], $0x80, $0x38;
	[tilespmem:$0x1C400] =	vst v63  }
0x2d: {  	_ =	swait.ge [sflag:s8], $0x100  }
0x2e: {  	[sflag:s8] =	ssyncset.done $0x0  }
0x2f: {  	s19 =	simm.s32 $0x100;
	s18 =	rddreg [dreg:$0x7];
	[sflag:s8] =	ssyncadd.s32 $0xFFFFFF00  }
0x30: {  	[tilespmem:s19], [sflag:$0x7] =	stream.linear.gather [hbm4b:s18+s4], $0x80, $0x38;
	[tilespmem:$0x1C400] =	vst v63  }
0x31: {  	s22 =	simm.s32 $0x300;
	s20 =	rddreg [dreg:$0xe]  }
0x32: {  	[tilespmem:s22], [sflag:$0x7] =	stream.linear.gather [hbm4b:s20+s4], $0x80, $0x38;
	[tilespmem:$0x1C400] =	vst v63  }
0x33: {  	_ =	swait.ge [sflag:s8], $0x100  }
0x34: {  	[sflag:s8] =	ssyncset.done $0x0  }
0x35: {  	s24 =	simm.s32 $0x180;
	s23 =	rddreg [dreg:$0x8];
	[sflag:s8] =	ssyncadd.s32 $0xFFFFFF00  }
0x36: {  	[tilespmem:s24], [sflag:$0x7] =	stream.linear.gather [hbm4b:s23+s4], $0x80, $0x38;
	[tilespmem:$0x1C400] =	vst v63  }
0x37: {  	s26 =	simm.s32 $0x380;
	s25 =	rddreg [dreg:$0xf]  }
0x38: {  	[tilespmem:s26], [sflag:$0x7] =	stream.linear.gather [hbm4b:s25+s4], $0x80, $0x38;
	[tilespmem:$0x1C400] =	vst v63  }
0x39: {  	_ =	swait.ge [sflag:s8], $0x100  }
0x3a: {  	[sflag:s8] =	ssyncset.done $0x0  }
0x3b: {  	s30 =	simm.s32 $0x400;
	s29 =	rddreg [dreg:$0x9];
	[sflag:s8] =	ssyncadd.s32 $0xFFFFFF00  }
0x3c: {  	[tilespmem:s30], [sflag:$0x7] =	stream.linear.gather [hbm4b:s29+s4], $0x4000, $0x38;
	[tilespmem:$0x1C400] =	vst v63  }
0x3d: {  	_ =	swait.ge [sflag:s8], $0x4000  }
0x3e: {  	[sflag:s8] =	ssyncset.done $0x0  }
0x3f: {  	[sflag:s8] =	ssyncadd.s32 $0xFFFFC000  }
0x40: {  	v3 =	vld [tilespmem:$0x0];
	_ =	sdelay $0x4  }
0x41: {  	v4 =	vshll.u32 v3, $0x3  }
0x42: {  	v3 =	vand.u32 $0x7, v3;
	v4 =	vand.u32 $0xFFFFFFC0, v4  }
0x43: {  	v3 =	vor.u32 v3, v4  }
0x44: {  	v4 =	vperm.xlane v3, v0;
	_ =	sdelay $0x1  }
0x45: {  	v4 =	vadd.s32 v1, v4;
	_ =	sdelay $0x3  }
0x46: {  	s6 =	simm.s32 $0x4400  }
0x47: {  	[tilespmem:s6], [sflag:$0x1] =	stream.indirect_vreg.gather [hbm4b:s2+s4], $0x80, v4, vm0, $0xb8;
	[tilespmem:$0x1C400] =	vst v63  }
0x48: {  	s8 =	simm.s32 $0x4C00;
	v3 =	vperm.xlane v3, v2  }
0x49: {  	[tilespmem:s8], [sflag:$0x1] =	stream.indirect_vreg.gather [hbm4b:s12+s4], $0x80, v4, vm0, $0xb8;
	[tilespmem:$0x1C400] =	vst v63  }
0x4a: {  	s10 =	simm.s32 $0x5400;
	v3 =	vadd.s32 v1, v3  }
0x4b: {  	[tilespmem:s10], [sflag:$0x1] =	stream.indirect_vreg.gather [hbm4b:s13+s4], $0x80, v4, vm0, $0xb8;
	[tilespmem:$0x1C400] =	vst v63  }
0x4c: {  	s11 =	simm.s32 $0x5C00  }
0x4d: {  	[tilespmem:s11], [sflag:$0x1] =	stream.indirect_vreg.gather [hbm4b:s14+s4], $0x80, v4, vm0, $0xb8;
	[tilespmem:$0x1C400] =	vst v63  }
0x4e: {  	s15 =	simm.s32 $0x6400  }
0x4f: {  	[tilespmem:s15], [sflag:$0x1] =	stream.indirect_vreg.gather [hbm4b:s2+s4], $0x80, v3, vm0, $0xb8;
	[tilespmem:$0x1C400] =	vst v63  }
0x50: {  	s17 =	simm.s32 $0x6C00  }
0x51: {  	[tilespmem:s17], [sflag:$0x1] =	stream.indirect_vreg.gather [hbm4b:s12+s4], $0x80, v3, vm0, $0xb8;
	[tilespmem:$0x1C400] =	vst v63  }
0x52: {  	s18 =	simm.s32 $0x7400  }
0x53: {  	[tilespmem:s18], [sflag:$0x1] =	stream.indirect_vreg.gather [hbm4b:s13+s4], $0x80, v3, vm0, $0xb8;
	[tilespmem:$0x1C400] =	vst v63  }
0x54: {  	s19 =	simm.s32 $0x7C00  }
0x55: {  	[tilespmem:s19], [sflag:$0x1] =	stream.indirect_vreg.gather [hbm4b:s14+s4], $0x80, v3, vm0, $0xb8;
	[tilespmem:$0x1C400] =	vst v63  }
0x56: {  	v3 =	vld [tilespmem:$0x10];
	_ =	sdelay $0x4  }
0x57: {  	v63 =	vshll.u32 v3, $0x3  }
0x58: {  	v3 =	vand.u32 $0x7, v3;
	v4 =	vand.u32 $0xFFFFFFC0, v63  }
0x59: {  	v3 =	vor.u32 v3, v4  }
0x5a: {  	v4 =	vperm.xlane v3, v0;
	_ =	sdelay $0x1  }
0x5b: {  	v4 =	vadd.s32 v1, v4;
	_ =	sdelay $0x3  }
0x5c: {  	s20 =	simm.s32 $0x8400  }
0x5d: {  	[tilespmem:s20], [sflag:$0x1] =	stream.indirect_vreg.gather [hbm4b:s2+s4], $0x80, v4, vm0, $0xb8;
	[tilespmem:$0x1C400] =	vst v63  }
0x5e: {  	s22 =	simm.s32 $0x8C00;
	v3 =	vperm.xlane v3, v2  }
0x5f: {  	[tilespmem:s22], [sflag:$0x1] =	stream.indirect_vreg.gather [hbm4b:s12+s4], $0x80, v4, vm0, $0xb8;
	[tilespmem:$0x1C400] =	vst v63  }
0x60: {  	s23 =	simm.s32 $0x9400;
	v3 =	vadd.s32 v1, v3  }
0x61: {  	[tilespmem:s23], [sflag:$0x1] =	stream.indirect_vreg.gather [hbm4b:s13+s4], $0x80, v4, vm0, $0xb8;
	[tilespmem:$0x1C400] =	vst v63  }
0x62: {  	s24 =	simm.s32 $0x9C00  }
0x63: {  	[tilespmem:s24], [sflag:$0x1] =	stream.indirect_vreg.gather [hbm4b:s14+s4], $0x80, v4, vm0, $0xb8;
	[tilespmem:$0x1C400] =	vst v63  }
0x64: {  	s25 =	simm.s32 $0xA400  }
0x65: {  	[tilespmem:s25], [sflag:$0x1] =	stream.indirect_vreg.gather [hbm4b:s2+s4], $0x80, v3, vm0, $0xb8;
	[tilespmem:$0x1C400] =	vst v63  }
0x66: {  	s26 =	simm.s32 $0xAC00  }
0x67: {  	[tilespmem:s26], [sflag:$0x1] =	stream.indirect_vreg.gather [hbm4b:s12+s4], $0x80, v3, vm0, $0xb8;
	[tilespmem:$0x1C400] =	vst v63  }
0x68: {  	s29 =	simm.s32 $0xB400  }
0x69: {  	[tilespmem:s29], [sflag:$0x1] =	stream.indirect_vreg.gather [hbm4b:s13+s4], $0x80, v3, vm0, $0xb8;
	[tilespmem:$0x1C400] =	vst v63  }
0x6a: {  	s30 =	simm.s32 $0xBC00;
	s6 =	simm.s32 $0x0  }
0x6b: {  	[tilespmem:s30], [sflag:$0x1] =	stream.indirect_vreg.gather [hbm4b:s14+s4], $0x80, v3, vm0, $0xb8;
	[tilespmem:$0x1C400] =	vst v63  }
.LBB2_2:
0x6c: {  	s19 =	smul.u32 $0x3, s6  }
0x6d: {  	p0 =	seq.s32 s6, $0x0  }
0x6e: {  	s11 =	simm.s32 @!p0 $0x5;
	s1 =	sadd.s32 $0x1, s19  }
0x6f: {  	_ =	swait.ge @!p0 [sflag:s11], $0x8000;
	s18 =	sshll.u32 s1, $0x5;
	s20 =	sshll.u32 s1, $0x7  }
0x70: {  	s0 =	sshll.u32 s1, $0x3;
	s18 =	sand.u32 $0xE00, s18;
	s20 =	sand.u32 $0x180, s20  }
0x71: {  	[sflag:s11] =	ssyncset.done @!p0 $0x0;
	s22 =	sand.u32 $0x60, s0;
	s18 =	sor.u32 s20, s18  }
0x72: {  	[sflag:s11] =	ssyncadd.s32 @!p0 $0xFFFF8000;
	s23 =	sor.u32 s22, s18  }
0x73: {  	v3 =	vld [tilespmem:s23+$0x0];
	_ =	sdelay $0x4  }
0x74: {  	v4 =	vshll.u32 v3, $0x3  }
0x75: {  	v3 =	vand.u32 $0x7, v3;
	v4 =	vand.u32 $0xFFFFFFC0, v4  }
0x76: {  	v3 =	vor.u32 v3, v4  }
0x77: {  	v4 =	vperm.xlane v3, v0;
	_ =	sdelay $0x1  }
0x78: {  	v4 =	vadd.s32 v1, v4;
	_ =	sdelay $0x3  }
0x79: {  	s18 =	simm.s32 $0x0  }
0x7a: {  	[tilespmem:s31], [sflag:$0x2] =	stream.indirect_vreg.gather [hbm4b:s2+s18], $0x80, v4, vm0, $0xb8;
	[tilespmem:$0x1C400] =	vst v63  }
0x7b: {  	s8 =	simm.s32 $0xCC00;
	v3 =	vperm.xlane v3, v2  }
0x7c: {  	[tilespmem:s8], [sflag:$0x2] =	stream.indirect_vreg.gather [hbm4b:s12+s18], $0x80, v4, vm0, $0xb8;
	[tilespmem:$0x1C400] =	vst v63  }
0x7d: {  	s24 =	simm.s32 $0xD400;
	v3 =	vadd.s32 v1, v3  }
0x7e: {  	[tilespmem:s24], [sflag:$0x2] =	stream.indirect_vreg.gather [hbm4b:s13+s18], $0x80, v4, vm0, $0xb8;
	[tilespmem:$0x1C400] =	vst v63  }
0x7f: {  	s25 =	simm.s32 $0xDC00  }
0x80: {  	[tilespmem:s25], [sflag:$0x2] =	stream.indirect_vreg.gather [hbm4b:s14+s18], $0x80, v4, vm0, $0xb8;
	[tilespmem:$0x1C400] =	vst v63  }
0x81: {  	s26 =	simm.s32 $0xE400  }
0x82: {  	[tilespmem:s26], [sflag:$0x2] =	stream.indirect_vreg.gather [hbm4b:s2+s18], $0x80, v3, vm0, $0xb8;
	[tilespmem:$0x1C400] =	vst v63  }
0x83: {  	s31 =	simm.s32 $0xEC00  }
0x84: {  	[tilespmem:s31], [sflag:$0x2] =	stream.indirect_vreg.gather [hbm4b:s12+s18], $0x80, v3, vm0, $0xb8;
	[tilespmem:$0x1C400] =	vst v63  }
0x85: {  	s10 =	simm.s32 $0xF400  }
0x86: {  	[tilespmem:s10], [sflag:$0x2] =	stream.indirect_vreg.gather [hbm4b:s13+s18], $0x80, v3, vm0, $0xb8;
	[tilespmem:$0x1C400] =	vst v63  }
0x87: {  	s15 =	simm.s32 $0xFC00  }
0x88: {  	[tilespmem:s15], [sflag:$0x2] =	stream.indirect_vreg.gather [hbm4b:s14+s18], $0x80, v3, vm0, $0xb8;
	[tilespmem:$0x1C400] =	vst v63  }
0x89: {  	v3 =	vld [tilespmem:s23+$0x10];
	_ =	sdelay $0x4  }
0x8a: {  	v4 =	vshll.u32 v3, $0x3  }
0x8b: {  	v3 =	vand.u32 $0x7, v3;
	v4 =	vand.u32 $0xFFFFFFC0, v4  }
0x8c: {  	v3 =	vor.u32 v3, v4  }
0x8d: {  	v4 =	vperm.xlane v3, v0;
	_ =	sdelay $0x1  }
0x8e: {  	v4 =	vadd.s32 v1, v4;
	_ =	sdelay $0x3  }
0x8f: {  	s17 =	simm.s32 $0x10400  }
0x90: {  	[tilespmem:s17], [sflag:$0x2] =	stream.indirect_vreg.gather [hbm4b:s2+s18], $0x80, v4, vm0, $0xb8;
	[tilespmem:$0x1C400] =	vst v63  }
0x91: {  	s20 =	simm.s32 $0x10C00;
	v3 =	vperm.xlane v3, v2  }
0x92: {  	[tilespmem:s20], [sflag:$0x2] =	stream.indirect_vreg.gather [hbm4b:s12+s18], $0x80, v4, vm0, $0xb8;
	[tilespmem:$0x1C400] =	vst v63  }
0x93: {  	s22 =	simm.s32 $0x11400;
	v3 =	vadd.s32 v1, v3  }
0x94: {  	[tilespmem:s22], [sflag:$0x2] =	stream.indirect_vreg.gather [hbm4b:s13+s18], $0x80, v4, vm0, $0xb8;
	[tilespmem:$0x1C400] =	vst v63  }
0x95: {  	s23 =	simm.s32 $0x11C00  }
0x96: {  	[tilespmem:s23], [sflag:$0x2] =	stream.indirect_vreg.gather [hbm4b:s14+s18], $0x80, v4, vm0, $0xb8;
	[tilespmem:$0x1C400] =	vst v63  }
0x97: {  	s8 =	sand.u32 $0x40, s18;
	s24 =	simm.s32 $0x12400  }
0x98: {  	[tilespmem:s24], [sflag:$0x2] =	stream.indirect_vreg.gather [hbm4b:s2+s18], $0x80, v3, vm0, $0xb8;
	[tilespmem:$0x1C400] =	vst v63  }
0x99: {  	s25 =	simm.s32 $0x12C00;
	s26 =	simm.s32 $0x13400;
	s15 =	simm.s32 $0x0  }
0x9a: {  	[tilespmem:s25], [sflag:$0x2] =	stream.indirect_vreg.gather [hbm4b:s12+s18], $0x80, v3, vm0, $0xb8;
	[tilespmem:$0x1C400] =	vst v63  }
0x9b: {  	s31 =	simm.s32 $0x13C00;
	s10 =	sand.u32 $0xC00, s18;
	s22 =	sand.u32 $0x3FFFF000, s15  }
0x9c: {  	[tilespmem:s26], [sflag:$0x2] =	stream.indirect_vreg.gather [hbm4b:s13+s18], $0x80, v3, vm0, $0xb8;
	[tilespmem:$0x1C400] =	vst v63  }
0x9d: {  	s20 =	sor.u32 s10, s22;
	s23 =	simm.s32 $0x0;
	s25 =	sand.u32 $0x7000, s18  }
0x9e: {  	[tilespmem:s31], [sflag:$0x2] =	stream.indirect_vreg.gather [hbm4b:s14+s18], $0x80, v3, vm0, $0xb8;
	[tilespmem:$0x1C400] =	vst v63  }
0x9f: {  	s23 =	sand.u32 $0x3FFFE000, s23;
	s25 =	sshrl.u32 s25, $0x2;
	_ =	swait.ge [sflag:s16], $0x8000  }
0xa0: {  	s17 =	sor.u32 s25, s23;
	s18 =	sand.u32 $0x380, s18;
	[sflag:s16] =	ssyncset.done $0x0  }
0xa1: {  	s11 =	sor.u32 s8, s20;
	s30 =	sor.u32 s18, s17;
	[sflag:s16] =	ssyncadd.s32 $0xFFFF8000  }
0xa2: {  	s11 =	sor.u32 s18, s11;
	v3 =	vld [tilespmem:s30+$0x4470]  }
0xa3: {  	v4 =	vld [tilespmem:s11+$0x430]  }
0xa4: {  	v5 =	vld [tilespmem:s30+$0x4400]  }
0xa5: {  	v6 =	vld [tilespmem:s30+$0x4410]  }
0xa6: {  	v7 =	vld [tilespmem:s30+$0x4420]  }
0xa7: {  	v8 =	vld [tilespmem:s30+$0x4430]  }
0xa8: {  	v9 =	vld [tilespmem:s30+$0x4440]  }
0xa9: {  	s22 =	simm.s32 $0x40;
	s24 =	simm.s32 $0x10;
	s23 =	simm.s32 $0x200;
	v10 =	vld [tilespmem:s30+$0x4450]  }
0xaa: {  	s25 =	simm.s32 $0x1000;
	s26 =	simm.s32 $0x80;
	s20 =	sand.u32 $0xC00, s23;
	v11 =	vld [tilespmem:s30+$0x4460]  }
0xab: {  	s23 =	sand.u32 $0x7000, s25;
	s26 =	sand.u32 $0x3FFFE000, s26;
	s31 =	simm.s32 $0x40;
	v14 =	vld [tilespmem:s11+$0x410]  }
0xac: {  	s23 =	sshrl.u32 s23, $0x2;
	s18 =	sand.u32 $0x40, s22;
	s25 =	sand.u32 $0x3FFFF000, s31;
	v12 =	vld [tilespmem:s11+$0x400]  }
0xad: {  	s22 =	sand.u32 $0x380, s24;
	s23 =	sor.u32 s23, s26;
	s20 =	sor.u32 s20, s25;
	v13 =	vmul.f32 $3.200000000e+01, v3  }
0xae: {  	s20 =	sor.u32 s18, s20;
	s18 =	sor.u32 s22, s23;
	v16 =	vld [tilespmem:s11+$0x420];
	v3 =	vshll.u32 v4, $0x10;
	v15 =	vmul.f32 $3.200000000e+01, v5;
	v6 =	vmul.f32 $3.200000000e+01, v6  }
0xaf: {  	s20 =	sor.u32 s22, s20;
	v18 =	vld [tilespmem:s18+$0x4470];
	v4 =	vand.u32 $0xFFFF0000, v4;
	v17 =	vmul.f32 $3.200000000e+01, v7;
	v8 =	vmul.f32 $3.200000000e+01, v8  }
0xb0: {  	v19 =	vld [tilespmem:s20+$0x430];
	v5 =	vmul.f32 $3.200000000e+01, v10;
	v20 =	vshll.u32 v14, $0x10;
	v7 =	vadd.f32 v4, v13  }
0xb1: {  	v13 =	vmul.f32 $3.200000000e+01, v9;
	v4 =	vmul.f32 $3.200000000e+01, v11;
	v11 =	vld [tilespmem:s18+$0x4400];
	v9 =	vshll.u32 v12, $0x10  }
0xb2: {  	v10 =	vld [tilespmem:s18+$0x4410];
	v14 =	vand.u32 $0xFFFF0000, v14;
	v12 =	vand.u32 $0xFFFF0000, v12;
	v9 =	vadd.f32 v9, v15  }
0xb3: {  	v22 =	vshll.u32 v16, $0x10;
	v14 =	vadd.f32 v14, v8;
	v21 =	vadd.f32 v12, v6;
	[tilespmem:s30+$0x4470] =	vst v7;
	v7 =	vld [tilespmem:s18+$0x4420]  }
0xb4: {  	s29 =	simm.s32 $0x2000;
	s26 =	simm.s32 $0x20;
	v12 =	vand.u32 $0xFFFF0000, v16;
	v6 =	vld [tilespmem:s18+$0x4430];
	v15 =	vmul.f32 $3.200000000e+01, v18;
	v16 =	vadd.f32 v20, v17;
	[tilespmem:s30+$0x4400] =	vst v9  }
0xb5: {  	s25 =	simm.s32 $0x400;
	s23 =	simm.s32 $0x80;
	s22 =	simm.s32 $0x4;
	v8 =	vld [tilespmem:s18+$0x4440];
	v17 =	vand.u32 $0xFFFF0000, v19;
	v13 =	vadd.f32 v22, v13;
	v9 =	vshll.u32 v19, $0x10;
	[tilespmem:s30+$0x4410] =	vst v21  }
.LBB2_3:
0xb6: {  	s22 =	sadd.s32 $0x4, s22;
	s11 =	sand.u32 $0x40, s23;
	s10 =	sand.u32 $0xC00, s25;
	v18 =	vmul.f32 $3.200000000e+01, v11;
	v11 =	vld [tilespmem:s18+$0x4450];
	v15 =	vadd.f32 v17, v15;
	[tilespmem:s30+$0x4420] =	vst v16;
	v5 =	vadd.f32 v12, v5  }
0xb7: {  	s31 =	sand.u32 $0x7000, s29;
	v4 =	vadd.f32 v3, v4;
	v3 =	vmov v9;
	s17 =	sshll.u32 s22, $0x4;
	s15 =	sshll.u32 s22, $0x5;
	v12 =	vmul.f32 $3.200000000e+01, v10;
	v10 =	vld [tilespmem:s18+$0x4460];
	[tilespmem:s30+$0x4430] =	vst v14  }
0xb8: {  	s31 =	sshrl.u32 s31, $0x2;
	s17 =	sand.u32 $0x3FFFF000, s17;
	s15 =	sand.u32 $0x3FFFE000, s15;
	v9 =	vld [tilespmem:s20+$0x400];
	v14 =	vmul.f32 $3.200000000e+01, v7;
	[tilespmem:s18+$0x4470] =	vst v15  }
0xb9: {  	s8 =	sand.u32 $0x380, s26;
	s10 =	sor.u32 s10, s17;
	s15 =	sor.u32 s31, s15;
	v7 =	vld [tilespmem:s20+$0x410];
	v17 =	vmul.f32 $3.200000000e+01, v6;
	[tilespmem:s30+$0x4440] =	vst v13  }
0xba: {  	p1 =	slt.u32 s22, $0x3FC;
	s10 =	sor.u32 s11, s10;
	s11 =	sor.u32 s8, s15;
	v6 =	vld [tilespmem:s20+$0x420];
	v13 =	vmul.f32 $3.200000000e+01, v8;
	[tilespmem:s30+$0x4450] =	vst v5  }
0xbb: {  	s20 =	sor.u32 s8, s10;
	v8 =	vld [tilespmem:s11+$0x4470];
	v5 =	vmul.f32 $3.200000000e+01, v11;
	[tilespmem:s30+$0x4460] =	vst v4;
	s30 =	smov.u32 s18;
	s18 =	smov.u32 s11  }
0xbc: {  	v19 =	vld [tilespmem:s20+$0x430];
	v4 =	vmul.f32 $3.200000000e+01, v10  }
.Ltmp2:
0xbd: {  	v11 =	vld [tilespmem:s18+$0x4400];
	v15 =	vshll.u32 v9, $0x10;
	v9 =	vand.u32 $0xFFFF0000, v9;
	(pc) =	sbr.rel @p1 .LBB2_3-.Ltmp2, $4  }
0xbe: {  	v10 =	vld [tilespmem:s18+$0x4410];
	v16 =	vadd.f32 v15, v18;
	v18 =	vshll.u32 v7, $0x10;
	v20 =	vand.u32 $0xFFFF0000, v7  }
0xbf: {  	v21 =	vadd.f32 v9, v12;
	v7 =	vld [tilespmem:s18+$0x4420];
	v22 =	vshll.u32 v6, $0x10;
	v12 =	vand.u32 $0xFFFF0000, v6  }
0xc0: {  	s23 =	sadd.s32 $0x40, s23;
	v6 =	vld [tilespmem:s18+$0x4430];
	v15 =	vmul.f32 $3.200000000e+01, v8;
	[tilespmem:s30+$0x4400] =	vst v16;
	v16 =	vadd.f32 v18, v14;
	v14 =	vadd.f32 v20, v17  }
0xc1: {  	s25 =	sadd.s32 $0x200, s25;
	s26 =	sadd.s32 $0x10, s26;
	s29 =	sadd.s32 $0x1000, s29;
	v13 =	vadd.f32 v22, v13;
	v8 =	vld [tilespmem:s18+$0x4440];
	v9 =	vshll.u32 v19, $0x10;
	v17 =	vand.u32 $0xFFFF0000, v19;
	[tilespmem:s30+$0x4410] =	vst v21  }
0xc2: {  	v18 =	vld [tilespmem:s20+$0x400];
	_ =	sdelay $0x1  }
0xc3: {  	[tilespmem:s30+$0x4420] =	vst v16;
	v53 =	vld [tilespmem:s20+$0x410]  }
0xc4: {  	v15 =	vadd.f32 v17, v15;
	[tilespmem:s30+$0x4430] =	vst v14;
	v54 =	vld [tilespmem:s18+$0x4460]  }
0xc5: {  	v11 =	vmul.f32 $3.200000000e+01, v11;
	v5 =	vadd.f32 v12, v5;
	v55 =	vld [tilespmem:s20+$0x420];
	[tilespmem:s30+$0x4440] =	vst v13  }
0xc6: {  	v19 =	vld [tilespmem:s18+$0x4450];
	v3 =	vadd.f32 v3, v4;
	v10 =	vmul.f32 $3.200000000e+01, v10;
	[tilespmem:s18+$0x4470] =	vst v15;
	v56 =	vshll.u32 v18, $0x10  }
0xc7: {  	v7 =	vmul.f32 $3.200000000e+01, v7;
	[tilespmem:s30+$0x4450] =	vst v5;
	v57 =	vand.u32 $0xFFFF0000, v18;
	v4 =	vadd.f32 v56, v11  }
0xc8: {  	s8 =	smul.u32 $0x18, s6;
	[tilespmem:s30+$0x4460] =	vst v3;
	v6 =	vmul.f32 $3.200000000e+01, v6;
	v3 =	vshll.u32 v53, $0x10;
	v5 =	vadd.f32 v57, v10  }
0xc9: {  	v8 =	vmul.f32 $3.200000000e+01, v8;
	v58 =	vand.u32 $0xFFFF0000, v53;
	v3 =	vadd.f32 v3, v7;
	[tilespmem:s18+$0x4400] =	vst v4  }
0xca: {  	s10 =	smul.u32 $0x1800000, s6;
	s8 =	sand.u32 $0x1E0, s8;
	v60 =	vshll.u32 v55, $0x10;
	v61 =	vmul.f32 $3.200000000e+01, v54;
	v6 =	vadd.f32 v58, v6;
	[tilespmem:s18+$0x4410] =	vst v5  }
0xcb: {  	s8 =	sadd.s32 s5, s8;
	v59 =	vmul.f32 $3.200000000e+01, v19;
	v7 =	vadd.f32 v60, v8;
	[tilespmem:s18+$0x4420] =	vst v3  }
0xcc: {  	s10 =	sand.u32 $0x1800000, s10;
	s8 =	sshll.u32 s8, $0xA;
	v62 =	vand.u32 $0xFFFF0000, v55;
	v63 =	vadd.f32 v9, v61;
	[tilespmem:s18+$0x4430] =	vst v6  }
0xcd: {  	s8 =	sadd.s32 s10, s8;
	v3 =	vadd.f32 v62, v59;
	[tilespmem:s18+$0x4440] =	vst v7  }
0xce: {  	s8 =	sshrl.u32 s8, $0x3;
	[tilespmem:s18+$0x4460] =	vst v63  }
0xcf: {  	s29 =	simm.s32 $0x4400;
	s31 =	sand.u32 $0x3, s19;
	s8 =	sadd.s32 s3, s8;
	[tilespmem:s18+$0x4450] =	vst v3  }
0xd0: {  	[hbm4b:s8+s4] =	stream.linear.scatter [tilespmem:s29], [sflag:$0x4], $0x8000, $0x38;
	[tilespmem:$0x1C400] =	vst v63  }
0xd1: {  	p1 =	sne.s32 s31, $0x3;
	s8 =	rddreg [dreg:$0xa]  }
0xd2: {  	s8 =	sadd.s32 @!p1 s8, s1  }
0xd3: {  	s8 =	sshll.u32 @!p1 s8, $0x9  }
0xd4: {  	s8 =	sand.u32 @!p1 $0x1FFFF800, s8  }
0xd5: {  	s11 =	simm.s32 @!p1 $0x400;
	s10 =	simm.s32 @!p1 $0x0;
	s8 =	sadd.s32 @!p1 s7, s8  }
0xd6: {  	[tilespmem:s11], [sflag:$0x8] =	stream.linear.gather @!p1 [hbm4b:s8+s10], $0x4000, $0x38;
	[tilespmem:$0x1C400] =	vst v63  }
.Ltmp3:
0xd7: {  	_ = 	snop;
	(pc) =	sbr.rel @p0 .LBB2_7-.Ltmp3, $4  }
0xd8: {  	s8 =	simm.s32 @!p1 $0x8  }
0xd9: {  	_ =	swait.ge @!p1 [sflag:s8], $0x4000  }
0xda: {  	[sflag:s8] =	ssyncset.done @!p1 $0x0  }
0xdb: {  	s30 =	sadd.s32 $0x2, s19;
	[sflag:s8] =	ssyncadd.s32 @!p1 $0xFFFFC000  }
0xdc: {  	p0 =	seq.s32 s6, $0xA  }
.Ltmp4:
0xdd: {  	_ = 	snop;
	(pc) =	sbr.rel @p0 .LBB2_8-.Ltmp4, $1  }
0xde: {  	_ =	sdelay $0x3  }
0xdf: {  	s8 =	simm.s32 $0x6  }
0xe0: {  	_ =	swait.ge [sflag:s8], $0x8000  }
0xe1: {  	[sflag:s8] =	ssyncset.done $0x0  }
0xe2: {  	[sflag:s8] =	ssyncadd.s32 $0xFFFF8000  }
.LBB2_7:
0xe3: {  	s8 =	sshll.u32 s30, $0x5;
	s10 =	sshll.u32 s30, $0x7  }
0xe4: {  	s11 =	sshll.u32 s30, $0x3;
	s8 =	sand.u32 $0xE00, s8;
	s10 =	sand.u32 $0x180, s10  }
0xe5: {  	s11 =	sand.u32 $0x60, s11;
	s8 =	sor.u32 s10, s8  }
0xe6: {  	s8 =	sor.u32 s11, s8  }
0xe7: {  	v3 =	vld [tilespmem:s8+$0x0];
	_ =	sdelay $0x4  }
0xe8: {  	v4 =	vshll.u32 v3, $0x3  }
0xe9: {  	v3 =	vand.u32 $0x7, v3;
	v4 =	vand.u32 $0xFFFFFFC0, v4  }
0xea: {  	v3 =	vor.u32 v3, v4  }
0xeb: {  	v4 =	vperm.xlane v3, v0;
	_ =	sdelay $0x1  }
0xec: {  	v4 =	vadd.s32 v1, v4;
	_ =	sdelay $0x3  }
0xed: {  	s25 =	simm.s32 $0x14400  }
0xee: {  	[tilespmem:s25], [sflag:$0x3] =	stream.indirect_vreg.gather [hbm4b:s2+s4], $0x80, v4, vm0, $0xb8;
	[tilespmem:$0x1C400] =	vst v63  }
0xef: {  	s26 =	simm.s32 $0x14C00;
	v3 =	vperm.xlane v3, v2  }
0xf0: {  	[tilespmem:s26], [sflag:$0x3] =	stream.indirect_vreg.gather [hbm4b:s12+s4], $0x80, v4, vm0, $0xb8;
	[tilespmem:$0x1C400] =	vst v63  }
0xf1: {  	s29 =	simm.s32 $0x15400;
	v3 =	vadd.s32 v1, v3  }
0xf2: {  	[tilespmem:s29], [sflag:$0x3] =	stream.indirect_vreg.gather [hbm4b:s13+s4], $0x80, v4, vm0, $0xb8;
	[tilespmem:$0x1C400] =	vst v63  }
0xf3: {  	s31 =	simm.s32 $0x15C00  }
0xf4: {  	[tilespmem:s31], [sflag:$0x3] =	stream.indirect_vreg.gather [hbm4b:s14+s4], $0x80, v4, vm0, $0xb8;
	[tilespmem:$0x1C400] =	vst v63  }
0xf5: {  	s11 =	simm.s32 $0x16400  }
0xf6: {  	[tilespmem:s11], [sflag:$0x3] =	stream.indirect_vreg.gather [hbm4b:s2+s4], $0x80, v3, vm0, $0xb8;
	[tilespmem:$0x1C400] =	vst v63  }
0xf7: {  	s15 =	simm.s32 $0x16C00  }
0xf8: {  	[tilespmem:s15], [sflag:$0x3] =	stream.indirect_vreg.gather [hbm4b:s12+s4], $0x80, v3, vm0, $0xb8;
	[tilespmem:$0x1C400] =	vst v63  }
0xf9: {  	s17 =	simm.s32 $0x17400  }
0xfa: {  	[tilespmem:s17], [sflag:$0x3] =	stream.indirect_vreg.gather [hbm4b:s13+s4], $0x80, v3, vm0, $0xb8;
	[tilespmem:$0x1C400] =	vst v63  }
0xfb: {  	s18 =	simm.s32 $0x17C00  }
0xfc: {  	[tilespmem:s18], [sflag:$0x3] =	stream.indirect_vreg.gather [hbm4b:s14+s4], $0x80, v3, vm0, $0xb8;
	[tilespmem:$0x1C400] =	vst v63  }
0xfd: {  	v3 =	vld [tilespmem:s8+$0x10];
	_ =	sdelay $0x4  }
0xfe: {  	v63 =	vshll.u32 v3, $0x3  }
0xff: {  	v3 =	vand.u32 $0x7, v3;
	v4 =	vand.u32 $0xFFFFFFC0, v63  }
0x100: {  	v3 =	vor.u32 v3, v4  }
0x101: {  	v4 =	vperm.xlane v3, v0;
	_ =	sdelay $0x1  }
0x102: {  	v4 =	vadd.s32 v1, v4;
	_ =	sdelay $0x3  }
0x103: {  	s20 =	simm.s32 $0x18400  }
0x104: {  	[tilespmem:s20], [sflag:$0x3] =	stream.indirect_vreg.gather [hbm4b:s2+s4], $0x80, v4, vm0, $0xb8;
	[tilespmem:$0x1C400] =	vst v63  }
0x105: {  	s22 =	simm.s32 $0x18C00;
	v3 =	vperm.xlane v3, v2  }
0x106: {  	[tilespmem:s22], [sflag:$0x3] =	stream.indirect_vreg.gather [hbm4b:s12+s4], $0x80, v4, vm0, $0xb8;
	[tilespmem:$0x1C400] =	vst v63  }
0x107: {  	s23 =	simm.s32 $0x19400;
	v3 =	vadd.s32 v1, v3  }
0x108: {  	[tilespmem:s23], [sflag:$0x3] =	stream.indirect_vreg.gather [hbm4b:s13+s4], $0x80, v4, vm0, $0xb8;
	[tilespmem:$0x1C400] =	vst v63  }
0x109: {  	s24 =	simm.s32 $0x19C00  }
0x10a: {  	[tilespmem:s24], [sflag:$0x3] =	stream.indirect_vreg.gather [hbm4b:s14+s4], $0x80, v4, vm0, $0xb8;
	[tilespmem:$0x1C400] =	vst v63  }
0x10b: {  	s25 =	simm.s32 $0x1A400  }
0x10c: {  	[tilespmem:s25], [sflag:$0x3] =	stream.indirect_vreg.gather [hbm4b:s2+s4], $0x80, v3, vm0, $0xb8;
	[tilespmem:$0x1C400] =	vst v63  }
0x10d: {  	s26 =	simm.s32 $0x1AC00  }
0x10e: {  	[tilespmem:s26], [sflag:$0x3] =	stream.indirect_vreg.gather [hbm4b:s12+s4], $0x80, v3, vm0, $0xb8;
	[tilespmem:$0x1C400] =	vst v63  }
0x10f: {  	s29 =	simm.s32 $0x1B400  }
0x110: {  	[tilespmem:s29], [sflag:$0x3] =	stream.indirect_vreg.gather [hbm4b:s13+s4], $0x80, v3, vm0, $0xb8;
	[tilespmem:$0x1C400] =	vst v63  }
0x111: {  	s31 =	simm.s32 $0x1BC00  }
0x112: {  	[tilespmem:s31], [sflag:$0x3] =	stream.indirect_vreg.gather [hbm4b:s14+s4], $0x80, v3, vm0, $0xb8;
	[tilespmem:$0x1C400] =	vst v63  }
.LBB2_8:
0x113: {  	_ =	swait.ge [sflag:s21], $0x8000;
	s8 =	simm.s32 $0x0  }
0x114: {  	s15 =	simm.s32 $0x0;
	s17 =	simm.s32 $0x0;
	[sflag:s21] =	ssyncset.done $0x0  }
0x115: {  	s10 =	sand.u32 $0x40, s8;
	s11 =	sand.u32 $0xC00, s8;
	s18 =	sand.u32 $0x7000, s8  }
0x116: {  	s15 =	sand.u32 $0x3FFFF000, s15;
	s17 =	sand.u32 $0x3FFFE000, s17;
	s18 =	sshrl.u32 s18, $0x2  }
0x117: {  	s8 =	sand.u32 $0x380, s8;
	s11 =	sor.u32 s11, s15;
	s23 =	sor.u32 s18, s17  }
0x118: {  	[sflag:s21] =	ssyncadd.s32 $0xFFFF8000;
	s10 =	sor.u32 s10, s11;
	s18 =	sor.u32 s8, s23  }
0x119: {  	s8 =	sor.u32 s8, s10;
	v3 =	vld [tilespmem:s18+$0xC470]  }
0x11a: {  	v4 =	vld [tilespmem:s8+$0x430]  }
0x11b: {  	v5 =	vld [tilespmem:s18+$0xC400]  }
0x11c: {  	v6 =	vld [tilespmem:s18+$0xC410]  }
0x11d: {  	v7 =	vld [tilespmem:s18+$0xC420]  }
0x11e: {  	v8 =	vld [tilespmem:s18+$0xC430]  }
0x11f: {  	s24 =	simm.s32 $0x40;
	s25 =	simm.s32 $0x200;
	s26 =	simm.s32 $0x10;
	v10 =	vld [tilespmem:s18+$0xC450]  }
0x120: {  	s31 =	simm.s32 $0x1000;
	s20 =	simm.s32 $0x40;
	s22 =	simm.s32 $0x80;
	v11 =	vld [tilespmem:s18+$0xC460]  }
0x121: {  	s20 =	sand.u32 $0x3FFFF000, s20;
	s22 =	sand.u32 $0x3FFFE000, s22;
	s17 =	sand.u32 $0x7000, s31;
	v12 =	vld [tilespmem:s8+$0x400]  }
0x122: {  	s15 =	sand.u32 $0x380, s26;
	s11 =	sand.u32 $0xC00, s25;
	s17 =	sshrl.u32 s17, $0x2;
	v14 =	vld [tilespmem:s8+$0x410]  }
0x123: {  	s10 =	sand.u32 $0x40, s24;
	s11 =	sor.u32 s11, s20;
	v9 =	vld [tilespmem:s18+$0xC440];
	s17 =	sor.u32 s17, s22;
	v13 =	vmul.f32 $3.200000000e+01, v3  }
0x124: {  	s10 =	sor.u32 s10, s11;
	v16 =	vld [tilespmem:s8+$0x420];
	s20 =	sor.u32 s15, s17;
	v3 =	vshll.u32 v4, $0x10;
	v15 =	vmul.f32 $3.200000000e+01, v5;
	v6 =	vmul.f32 $3.200000000e+01, v6  }
0x125: {  	s22 =	sor.u32 s15, s10;
	v18 =	vld [tilespmem:s20+$0xC470];
	v4 =	vand.u32 $0xFFFF0000, v4;
	v17 =	vmul.f32 $3.200000000e+01, v7;
	v8 =	vmul.f32 $3.200000000e+01, v8  }
0x126: {  	v19 =	vld [tilespmem:s22+$0x430];
	v5 =	vmul.f32 $3.200000000e+01, v10;
	v10 =	vshll.u32 v12, $0x10;
	v12 =	vand.u32 $0xFFFF0000, v12  }
0x127: {  	v20 =	vshll.u32 v14, $0x10;
	v7 =	vadd.f32 v4, v13;
	v4 =	vmul.f32 $3.200000000e+01, v11;
	v11 =	vld [tilespmem:s20+$0xC400]  }
0x128: {  	v14 =	vand.u32 $0xFFFF0000, v14;
	v13 =	vmul.f32 $3.200000000e+01, v9;
	v9 =	vld [tilespmem:s20+$0xC410];
	v10 =	vadd.f32 v10, v15  }
0x129: {  	v22 =	vshll.u32 v16, $0x10;
	v21 =	vadd.f32 v12, v6;
	v12 =	vand.u32 $0xFFFF0000, v16;
	[tilespmem:s18+$0xC470] =	vst v7;
	v7 =	vld [tilespmem:s20+$0xC420]  }
0x12a: {  	s29 =	simm.s32 $0x20;
	s26 =	simm.s32 $0x400;
	v6 =	vld [tilespmem:s20+$0xC430];
	v15 =	vmul.f32 $3.200000000e+01, v18;
	v16 =	vadd.f32 v20, v17;
	v14 =	vadd.f32 v14, v8;
	[tilespmem:s18+$0xC400] =	vst v10  }
0x12b: {  	s25 =	simm.s32 $0x80;
	s23 =	simm.s32 $0x4;
	s11 =	simm.s32 $0x2000;
	v8 =	vld [tilespmem:s20+$0xC440];
	v17 =	vand.u32 $0xFFFF0000, v19;
	v10 =	vshll.u32 v19, $0x10;
	[tilespmem:s18+$0xC410] =	vst v21;
	v13 =	vadd.f32 v22, v13  }
.LBB2_9:
0x12c: {  	s23 =	sadd.s32 $0x4, s23;
	s8 =	sand.u32 $0x40, s25;
	s10 =	sand.u32 $0xC00, s26;
	v18 =	vmul.f32 $3.200000000e+01, v11;
	v11 =	vld [tilespmem:s20+$0xC450];
	v15 =	vadd.f32 v17, v15;
	[tilespmem:s18+$0xC420] =	vst v16;
	v5 =	vadd.f32 v12, v5  }
0x12d: {  	s31 =	sand.u32 $0x7000, s11;
	v4 =	vadd.f32 v3, v4;
	v3 =	vmov v10;
	s15 =	sshll.u32 s23, $0x4;
	s17 =	sshll.u32 s23, $0x5;
	v12 =	vmul.f32 $3.200000000e+01, v9;
	v9 =	vld [tilespmem:s20+$0xC460];
	[tilespmem:s18+$0xC430] =	vst v14  }
0x12e: {  	s31 =	sshrl.u32 s31, $0x2;
	s15 =	sand.u32 $0x3FFFF000, s15;
	s17 =	sand.u32 $0x3FFFE000, s17;
	v10 =	vld [tilespmem:s22+$0x400];
	v14 =	vmul.f32 $3.200000000e+01, v7;
	[tilespmem:s20+$0xC470] =	vst v15  }
0x12f: {  	s24 =	sand.u32 $0x380, s29;
	s10 =	sor.u32 s10, s15;
	s15 =	sor.u32 s31, s17;
	v7 =	vld [tilespmem:s22+$0x410];
	v17 =	vmul.f32 $3.200000000e+01, v6;
	[tilespmem:s18+$0xC440] =	vst v13  }
0x130: {  	p0 =	slt.u32 s23, $0x3FC;
	s8 =	sor.u32 s8, s10;
	s10 =	sor.u32 s24, s15;
	v6 =	vld [tilespmem:s22+$0x420];
	v13 =	vmul.f32 $3.200000000e+01, v8;
	[tilespmem:s18+$0xC450] =	vst v5  }
0x131: {  	s22 =	sor.u32 s24, s8;
	v8 =	vld [tilespmem:s10+$0xC470];
	v5 =	vmul.f32 $3.200000000e+01, v11;
	[tilespmem:s18+$0xC460] =	vst v4;
	s18 =	smov.u32 s20;
	s20 =	smov.u32 s10  }
0x132: {  	v19 =	vld [tilespmem:s22+$0x430];
	v4 =	vmul.f32 $3.200000000e+01, v9  }
.Ltmp5:
0x133: {  	v11 =	vld [tilespmem:s20+$0xC400];
	v15 =	vshll.u32 v10, $0x10;
	v10 =	vand.u32 $0xFFFF0000, v10;
	(pc) =	sbr.rel @p0 .LBB2_9-.Ltmp5, $4  }
0x134: {  	v9 =	vld [tilespmem:s20+$0xC410];
	v16 =	vadd.f32 v15, v18;
	v18 =	vshll.u32 v7, $0x10;
	v20 =	vand.u32 $0xFFFF0000, v7  }
0x135: {  	v21 =	vadd.f32 v10, v12;
	v7 =	vld [tilespmem:s20+$0xC420];
	v22 =	vshll.u32 v6, $0x10;
	v12 =	vand.u32 $0xFFFF0000, v6  }
0x136: {  	s25 =	sadd.s32 $0x40, s25;
	v6 =	vld [tilespmem:s20+$0xC430];
	v15 =	vmul.f32 $3.200000000e+01, v8;
	[tilespmem:s18+$0xC400] =	vst v16;
	v16 =	vadd.f32 v18, v14;
	v14 =	vadd.f32 v20, v17  }
0x137: {  	s26 =	sadd.s32 $0x200, s26;
	s29 =	sadd.s32 $0x10, s29;
	s11 =	sadd.s32 $0x1000, s11;
	v13 =	vadd.f32 v22, v13;
	v8 =	vld [tilespmem:s20+$0xC440];
	v10 =	vshll.u32 v19, $0x10;
	v17 =	vand.u32 $0xFFFF0000, v19;
	[tilespmem:s18+$0xC410] =	vst v21  }
0x138: {  	v18 =	vld [tilespmem:s22+$0x400];
	_ =	sdelay $0x1  }
0x139: {  	[tilespmem:s18+$0xC420] =	vst v16;
	v53 =	vld [tilespmem:s22+$0x410]  }
0x13a: {  	v15 =	vadd.f32 v17, v15;
	[tilespmem:s18+$0xC430] =	vst v14;
	v54 =	vld [tilespmem:s20+$0xC460]  }
0x13b: {  	v11 =	vmul.f32 $3.200000000e+01, v11;
	v5 =	vadd.f32 v12, v5;
	v55 =	vld [tilespmem:s22+$0x420];
	[tilespmem:s18+$0xC440] =	vst v13  }
0x13c: {  	v19 =	vld [tilespmem:s20+$0xC450];
	v3 =	vadd.f32 v3, v4;
	v9 =	vmul.f32 $3.200000000e+01, v9;
	[tilespmem:s20+$0xC470] =	vst v15;
	v56 =	vshll.u32 v18, $0x10  }
0x13d: {  	v7 =	vmul.f32 $3.200000000e+01, v7;
	[tilespmem:s18+$0xC450] =	vst v5;
	v57 =	vand.u32 $0xFFFF0000, v18;
	v4 =	vadd.f32 v56, v11  }
0x13e: {  	[tilespmem:s18+$0xC460] =	vst v3;
	v6 =	vmul.f32 $3.200000000e+01, v6;
	v3 =	vshll.u32 v53, $0x10;
	v5 =	vadd.f32 v57, v9  }
0x13f: {  	v8 =	vmul.f32 $3.200000000e+01, v8;
	v58 =	vand.u32 $0xFFFF0000, v53;
	v3 =	vadd.f32 v3, v7;
	[tilespmem:s20+$0xC400] =	vst v4  }
0x140: {  	v60 =	vshll.u32 v55, $0x10;
	v61 =	vmul.f32 $3.200000000e+01, v54;
	v6 =	vadd.f32 v58, v6;
	[tilespmem:s20+$0xC410] =	vst v5  }
0x141: {  	v59 =	vmul.f32 $3.200000000e+01, v19;
	v7 =	vadd.f32 v60, v8;
	[tilespmem:s20+$0xC420] =	vst v3  }
0x142: {  	s8 =	sshll.u32 s1, $0x14;
	s0 =	sand.u32 $0x3E0, s0;
	v62 =	vand.u32 $0xFFFF0000, v55;
	v63 =	vadd.f32 v10, v61;
	[tilespmem:s20+$0xC430] =	vst v6  }
0x143: {  	s8 =	sand.u32 $0x300000, s8;
	s0 =	sadd.s32 s5, s0;
	v3 =	vadd.f32 v62, v59;
	[tilespmem:s20+$0xC440] =	vst v7  }
0x144: {  	s0 =	sshll.u32 s0, $0x7;
	s8 =	sadd.s32 s3, s8;
	[tilespmem:s20+$0xC460] =	vst v63  }
0x145: {  	s31 =	simm.s32 $0xC400;
	s0 =	sadd.s32 s0, s8;
	[tilespmem:s20+$0xC450] =	vst v3  }
0x146: {  	[hbm4b:s0+s4] =	stream.linear.scatter [tilespmem:s31], [sflag:$0x5], $0x8000, $0x38;
	[tilespmem:$0x1C400] =	vst v63  }
0x147: {  	p0 =	seq.s32 s6, $0xA;
	s0 =	sand.u32 $0x3, s1  }
0x148: {  	p1 =	sne.s32 @!p0 s0, $0x3  }
0x149: {  	p1 =	por p0, p1  }
.Ltmp6:
0x14a: {  	_ = 	snop;
	(pc) =	sbr.rel @p1 .LBB2_12-.Ltmp6, $3  }
0x14b: {  	_ =	sdelay $0x1  }
0x14c: {  	s29 =	sshll.u32 s30, $0x3  }
0x14d: {  	s0 =	sand.u32 $0x3E0, s29  }
0x14e: {  	s1 =	sadd.s32 s5, s0  }
0x14f: {  	s8 =	simm.s32 $0x400;
	s1 =	sshll.u32 s1, $0x6  }
.Ltmp7:
0x150: {  	s29 =	simm.s32 $0x8;
	s1 =	sadd.s32 s7, s1;
	(pc) =	sbr.rel .LBB2_13-.Ltmp7, $4  }
0x151: {  	[tilespmem:s8], [sflag:$0x8] =	stream.linear.gather [hbm4b:s1+s4], $0x4000, $0x38;
	[tilespmem:$0x1C400] =	vst v63  }
0x152: {  	_ =	swait.ge [sflag:s29], $0x4000  }
0x153: {  	[sflag:s29] =	ssyncset.done $0x0  }
0x154: {  	[sflag:s29] =	ssyncadd.s32 $0xFFFFC000  }
.LBB2_12:
.Ltmp8:
0x155: {  	(pc) =	sbr.rel @p0 .LBB2_16-.Ltmp8, $1  }
0x156: {  	_ =	sdelay $0x3  }
.LBB2_13:
0x157: {  	s1 =	sadd.s32 $0x3, s19  }
0x158: {  	_ =	swait.ge [sflag:s28], $0x8000;
	s8 =	sshll.u32 s1, $0x5;
	s10 =	sshll.u32 s1, $0x7  }
0x159: {  	s1 =	sshll.u32 s1, $0x3;
	s8 =	sand.u32 $0xE00, s8;
	s10 =	sand.u32 $0x180, s10  }
0x15a: {  	[sflag:s28] =	ssyncset.done $0x0;
	s11 =	sand.u32 $0x60, s1;
	s8 =	sor.u32 s10, s8  }
0x15b: {  	[sflag:s28] =	ssyncadd.s32 $0xFFFF8000;
	s8 =	sor.u32 s11, s8  }
0x15c: {  	v3 =	vld [tilespmem:s8+$0x0];
	_ =	sdelay $0x4  }
0x15d: {  	v4 =	vshll.u32 v3, $0x3  }
0x15e: {  	v3 =	vand.u32 $0x7, v3;
	v4 =	vand.u32 $0xFFFFFFC0, v4  }
0x15f: {  	v3 =	vor.u32 v3, v4  }
0x160: {  	v4 =	vperm.xlane v3, v0;
	_ =	sdelay $0x1  }
0x161: {  	v4 =	vadd.s32 v1, v4;
	_ =	sdelay $0x3  }
0x162: {  	s19 =	simm.s32 $0x4400;
	s10 =	simm.s32 $0x0  }
0x163: {  	[tilespmem:s19], [sflag:$0x1] =	stream.indirect_vreg.gather [hbm4b:s2+s10], $0x80, v4, vm0, $0xb8;
	[tilespmem:$0x1C400] =	vst v63  }
0x164: {  	s20 =	simm.s32 $0x4C00;
	v3 =	vperm.xlane v3, v2  }
0x165: {  	[tilespmem:s20], [sflag:$0x1] =	stream.indirect_vreg.gather [hbm4b:s12+s10], $0x80, v4, vm0, $0xb8;
	[tilespmem:$0x1C400] =	vst v63  }
0x166: {  	s22 =	simm.s32 $0x5400;
	v3 =	vadd.s32 v1, v3  }
0x167: {  	[tilespmem:s22], [sflag:$0x1] =	stream.indirect_vreg.gather [hbm4b:s13+s10], $0x80, v4, vm0, $0xb8;
	[tilespmem:$0x1C400] =	vst v63  }
0x168: {  	s23 =	simm.s32 $0x5C00  }
0x169: {  	[tilespmem:s23], [sflag:$0x1] =	stream.indirect_vreg.gather [hbm4b:s14+s10], $0x80, v4, vm0, $0xb8;
	[tilespmem:$0x1C400] =	vst v63  }
0x16a: {  	s24 =	simm.s32 $0x6400  }
0x16b: {  	[tilespmem:s24], [sflag:$0x1] =	stream.indirect_vreg.gather [hbm4b:s2+s10], $0x80, v3, vm0, $0xb8;
	[tilespmem:$0x1C400] =	vst v63  }
0x16c: {  	s25 =	simm.s32 $0x6C00  }
0x16d: {  	[tilespmem:s25], [sflag:$0x1] =	stream.indirect_vreg.gather [hbm4b:s12+s10], $0x80, v3, vm0, $0xb8;
	[tilespmem:$0x1C400] =	vst v63  }
0x16e: {  	s26 =	simm.s32 $0x7400  }
0x16f: {  	[tilespmem:s26], [sflag:$0x1] =	stream.indirect_vreg.gather [hbm4b:s13+s10], $0x80, v3, vm0, $0xb8;
	[tilespmem:$0x1C400] =	vst v63  }
0x170: {  	s29 =	simm.s32 $0x7C00  }
0x171: {  	[tilespmem:s29], [sflag:$0x1] =	stream.indirect_vreg.gather [hbm4b:s14+s10], $0x80, v3, vm0, $0xb8;
	[tilespmem:$0x1C400] =	vst v63  }
0x172: {  	v3 =	vld [tilespmem:s8+$0x10];
	_ =	sdelay $0x4  }
0x173: {  	v4 =	vshll.u32 v3, $0x3  }
0x174: {  	v3 =	vand.u32 $0x7, v3;
	v4 =	vand.u32 $0xFFFFFFC0, v4  }
0x175: {  	v3 =	vor.u32 v3, v4  }
0x176: {  	v4 =	vperm.xlane v3, v0;
	_ =	sdelay $0x1  }
0x177: {  	v4 =	vadd.s32 v1, v4;
	_ =	sdelay $0x3  }
0x178: {  	s15 =	simm.s32 $0x8400  }
0x179: {  	[tilespmem:s15], [sflag:$0x1] =	stream.indirect_vreg.gather [hbm4b:s2+s10], $0x80, v4, vm0, $0xb8;
	[tilespmem:$0x1C400] =	vst v63  }
0x17a: {  	s17 =	simm.s32 $0x8C00;
	v3 =	vperm.xlane v3, v2  }
0x17b: {  	[tilespmem:s17], [sflag:$0x1] =	stream.indirect_vreg.gather [hbm4b:s12+s10], $0x80, v4, vm0, $0xb8;
	[tilespmem:$0x1C400] =	vst v63  }
0x17c: {  	s18 =	simm.s32 $0x9400;
	v3 =	vadd.s32 v1, v3  }
0x17d: {  	[tilespmem:s18], [sflag:$0x1] =	stream.indirect_vreg.gather [hbm4b:s13+s10], $0x80, v4, vm0, $0xb8;
	[tilespmem:$0x1C400] =	vst v63  }
0x17e: {  	s19 =	simm.s32 $0x9C00  }
0x17f: {  	[tilespmem:s19], [sflag:$0x1] =	stream.indirect_vreg.gather [hbm4b:s14+s10], $0x80, v4, vm0, $0xb8;
	[tilespmem:$0x1C400] =	vst v63  }
0x180: {  	s20 =	simm.s32 $0xA400;
	s22 =	simm.s32 $0xAC00  }
0x181: {  	[tilespmem:s20], [sflag:$0x1] =	stream.indirect_vreg.gather [hbm4b:s2+s10], $0x80, v3, vm0, $0xb8;
	[tilespmem:$0x1C400] =	vst v63  }
0x182: {  	s23 =	simm.s32 $0xB400;
	s24 =	simm.s32 $0xBC00;
	s25 =	sand.u32 $0x40, s10  }
0x183: {  	[tilespmem:s22], [sflag:$0x1] =	stream.indirect_vreg.gather [hbm4b:s12+s10], $0x80, v3, vm0, $0xb8;
	[tilespmem:$0x1C400] =	vst v63  }
0x184: {  	s26 =	sand.u32 $0xC00, s10;
	s15 =	sand.u32 $0x7000, s10;
	s17 =	simm.s32 $0x0  }
0x185: {  	[tilespmem:s23], [sflag:$0x1] =	stream.indirect_vreg.gather [hbm4b:s13+s10], $0x80, v3, vm0, $0xb8;
	[tilespmem:$0x1C400] =	vst v63  }
0x186: {  	s15 =	sshrl.u32 s15, $0x2;
	s17 =	sand.u32 $0x3FFFF000, s17;
	s18 =	simm.s32 $0x0  }
0x187: {  	[tilespmem:s24], [sflag:$0x1] =	stream.indirect_vreg.gather [hbm4b:s14+s10], $0x80, v3, vm0, $0xb8;
	[tilespmem:$0x1C400] =	vst v63  }
0x188: {  	s11 =	sor.u32 s26, s17;
	s18 =	sand.u32 $0x3FFFE000, s18;
	_ =	swait.ge [sflag:s9], $0x8000  }
0x189: {  	s15 =	sor.u32 s15, s18;
	s10 =	sand.u32 $0x380, s10;
	[sflag:s9] =	ssyncset.done $0x0  }
0x18a: {  	s8 =	sor.u32 s25, s11;
	s29 =	sor.u32 s10, s15;
	[sflag:s9] =	ssyncadd.s32 $0xFFFF8000  }
0x18b: {  	s8 =	sor.u32 s10, s8;
	v3 =	vld [tilespmem:s29+$0x14400]  }
0x18c: {  	v10 =	vld [tilespmem:s8+$0x400];
	_ =	sdelay $0x3  }
0x18d: {  	s18 =	simm.s32 $0x40;
	v3 =	vmul.f32 $3.200000000e+01, v3  }
0x18e: {  	s19 =	simm.s32 $0x10;
	s20 =	simm.s32 $0x1000;
	s22 =	simm.s32 $0x200;
	v5 =	vld [tilespmem:s8+$0x420];
	v4 =	vshll.u32 v10, $0x10  }
0x18f: {  	s23 =	sand.u32 $0x7000, s20;
	s10 =	sand.u32 $0x40, s18;
	s18 =	sadd.s32 $0x14400, s29;
	v13 =	vld [tilespmem:s8+$0x430];
	v3 =	vadd.f32 v4, v3  }
0x190: {  	s24 =	simm.s32 $0x40;
	s15 =	sand.u32 $0xC00, s22;
	s22 =	simm.s32 $0x80;
	v14 =	vld [tilespmem:s18+$0x20]  }
0x191: {  	s17 =	sshrl.u32 s23, $0x2;
	s25 =	sand.u32 $0x3FFFF000, s24;
	s22 =	sand.u32 $0x3FFFE000, s22;
	v4 =	vld [tilespmem:s8+$0x410];
	[tilespmem:s29+$0x14400] =	vst v3  }
0x192: {  	s26 =	sand.u32 $0x380, s19;
	s8 =	sor.u32 s15, s25;
	s29 =	sor.u32 s17, s22;
	v3 =	vld [tilespmem:s18+$0x10]  }
0x193: {  	s8 =	sor.u32 s10, s8;
	s22 =	sor.u32 s26, s29  }
0x194: {  	s23 =	sor.u32 s26, s8;
	v16 =	vld [tilespmem:s22+$0x14400]  }
0x195: {  	v8 =	vld [tilespmem:s23+$0x400]  }
0x196: {  	v11 =	vld [tilespmem:s18+$0x30];
	v6 =	vshll.u32 v5, $0x10;
	v15 =	vmul.f32 $3.200000000e+01, v14  }
0x197: {  	v12 =	vld [tilespmem:s18+$0x40];
	v9 =	vshll.u32 v4, $0x10;
	v7 =	vand.u32 $0xFFFF0000, v4;
	v17 =	vmul.f32 $3.200000000e+01, v3  }
0x198: {  	v4 =	vshll.u32 v13, $0x10;
	v3 =	vand.u32 $0xFFFF0000, v13;
	v13 =	vand.u32 $0xFFFF0000, v10;
	v10 =	vld [tilespmem:s18+$0x50]  }
0x199: {  	s11 =	simm.s32 $0x400;
	v5 =	vand.u32 $0xFFFF0000, v5;
	s25 =	simm.s32 $0x4;
	s26 =	simm.s32 $0x80;
	v16 =	vmul.f32 $3.200000000e+01, v16;
	v14 =	vadd.f32 v13, v17;
	v13 =	vld [tilespmem:s18+$0x60]  }
.LBB2_14:
0x19a: {  	s25 =	sadd.s32 $0x4, s25;
	v17 =	vshll.u32 v8, $0x10;
	s19 =	sadd.s32 $0x10, s19;
	s20 =	sadd.s32 $0x1000, s20;
	v9 =	vadd.f32 v9, v15;
	v15 =	vld [tilespmem:s18+$0x70];
	v18 =	vmov v8  }
0x19b: {  	s8 =	sand.u32 $0x40, s26;
	s10 =	sand.u32 $0xC00, s11;
	s15 =	sand.u32 $0x7000, s20;
	v8 =	vadd.f32 v17, v16;
	v16 =	vld [tilespmem:s23+$0x410];
	[tilespmem:s18+$0x10] =	vst v14;
	v11 =	vmul.f32 $3.200000000e+01, v11  }
0x19c: {  	s17 =	sshll.u32 s25, $0x4;
	s24 =	sshll.u32 s25, $0x5;
	s15 =	sshrl.u32 s15, $0x2;
	v14 =	vld [tilespmem:s23+$0x420];
	[tilespmem:s18+$0x20] =	vst v9;
	v9 =	vmul.f32 $3.200000000e+01, v12  }
0x19d: {  	s29 =	sadd.s32 $0x14400, s22;
	s17 =	sand.u32 $0x3FFFF000, s17;
	s24 =	sand.u32 $0x3FFFE000, s24;
	[tilespmem:s22+$0x14400] =	vst v8;
	v12 =	vld [tilespmem:s23+$0x430];
	v7 =	vadd.f32 v7, v11;
	v8 =	vmul.f32 $3.200000000e+01, v10  }
0x19e: {  	s23 =	sand.u32 $0x380, s19;
	s10 =	sor.u32 s10, s17;
	s15 =	sor.u32 s15, s24;
	v10 =	vld [tilespmem:s29+$0x10];
	v6 =	vadd.f32 v6, v9;
	v11 =	vmul.f32 $3.200000000e+01, v13  }
0x19f: {  	p1 =	slt.u32 s25, $0x3FC;
	s8 =	sor.u32 s8, s10;
	s22 =	sor.u32 s23, s15;
	v13 =	vld [tilespmem:s29+$0x20];
	[tilespmem:s18+$0x30] =	vst v7;
	v17 =	vadd.f32 v5, v8;
	v15 =	vmul.f32 $3.200000000e+01, v15  }
0x1a0: {  	s23 =	sor.u32 s23, s8;
	v19 =	vld [tilespmem:s22+$0x14400];
	v9 =	vshll.u32 v16, $0x10;
	v7 =	vand.u32 $0xFFFF0000, v16;
	[tilespmem:s18+$0x40] =	vst v6;
	v16 =	vadd.f32 v4, v11  }
.Ltmp9:
0x1a1: {  	v8 =	vld [tilespmem:s23+$0x400];
	v6 =	vshll.u32 v14, $0x10;
	v5 =	vand.u32 $0xFFFF0000, v14;
	[tilespmem:s18+$0x50] =	vst v17;
	v14 =	vadd.f32 v3, v15;
	(pc) =	sbr.rel @p1 .LBB2_14-.Ltmp9, $4  }
0x1a2: {  	v11 =	vld [tilespmem:s29+$0x30];
	v4 =	vshll.u32 v12, $0x10;
	v3 =	vand.u32 $0xFFFF0000, v12;
	[tilespmem:s18+$0x60] =	vst v16  }
0x1a3: {  	v17 =	vmul.f32 $3.200000000e+01, v10;
	v12 =	vld [tilespmem:s29+$0x40];
	[tilespmem:s18+$0x70] =	vst v14;
	s18 =	smov.u32 s29  }
0x1a4: {  	v14 =	vand.u32 $0xFFFF0000, v18;
	v15 =	vmul.f32 $3.200000000e+01, v13;
	v10 =	vld [tilespmem:s18+$0x50]  }
0x1a5: {  	s26 =	sadd.s32 $0x40, s26;
	s11 =	sadd.s32 $0x200, s11;
	v16 =	vmul.f32 $3.200000000e+01, v19;
	v14 =	vadd.f32 v14, v17;
	v13 =	vld [tilespmem:s18+$0x60]  }
0x1a6: {  	v18 =	vld [tilespmem:s18+$0x70]  }
0x1a7: {  	v36 =	vld [tilespmem:s23+$0x410]  }
0x1a8: {  	v19 =	vld [tilespmem:s23+$0x420]  }
0x1a9: {  	s8 =	sadd.s32 $0x14400, s22;
	v37 =	vld [tilespmem:s23+$0x430]  }
0x1aa: {  	v17 =	vshll.u32 v8, $0x10;
	v9 =	vadd.f32 v9, v15;
	v11 =	vmul.f32 $3.200000000e+01, v11;
	v39 =	vld [tilespmem:s8+$0x30]  }
0x1ab: {  	v16 =	vadd.f32 v17, v16;
	[tilespmem:s18+$0x10] =	vst v14;
	v43 =	vld [tilespmem:s8+$0x50];
	v12 =	vmul.f32 $3.200000000e+01, v12  }
0x1ac: {  	v38 =	vld [tilespmem:s8+$0x20];
	[tilespmem:s18+$0x20] =	vst v9;
	v7 =	vadd.f32 v7, v11;
	v10 =	vmul.f32 $3.200000000e+01, v10  }
0x1ad: {  	v48 =	vld [tilespmem:s8+$0x70];
	[tilespmem:s22+$0x14400] =	vst v16;
	v6 =	vadd.f32 v6, v12;
	v40 =	vmul.f32 $3.200000000e+01, v13  }
0x1ae: {  	v41 =	vld [tilespmem:s8+$0x40];
	[tilespmem:s18+$0x30] =	vst v7;
	v5 =	vadd.f32 v5, v10;
	v42 =	vmul.f32 $3.200000000e+01, v18  }
0x1af: {  	v20 =	vld [tilespmem:s8+$0x10];
	[tilespmem:s18+$0x40] =	vst v6;
	v4 =	vadd.f32 v4, v40;
	v51 =	vmul.f32 $3.200000000e+01, v39  }
0x1b0: {  	v45 =	vld [tilespmem:s8+$0x60];
	v52 =	vand.u32 $0xFFFF0000, v36;
	v56 =	vmul.f32 $3.200000000e+01, v43;
	[tilespmem:s18+$0x50] =	vst v5;
	v3 =	vadd.f32 v3, v42  }
0x1b1: {  	v57 =	vand.u32 $0xFFFF0000, v19;
	v47 =	vmul.f32 $3.200000000e+01, v38;
	[tilespmem:s18+$0x60] =	vst v4;
	v55 =	vadd.f32 v52, v51  }
0x1b2: {  	v49 =	vshll.u32 v36, $0x10;
	v61 =	vmul.f32 $3.200000000e+01, v48;
	v60 =	vadd.f32 v57, v56;
	[tilespmem:s18+$0x70] =	vst v3  }
0x1b3: {  	v62 =	vand.u32 $0xFFFF0000, v37;
	v53 =	vmul.f32 $3.200000000e+01, v41;
	v3 =	vadd.f32 v49, v47;
	[tilespmem:s8+$0x30] =	vst v55  }
0x1b4: {  	v54 =	vshll.u32 v19, $0x10;
	v63 =	vadd.f32 v62, v61;
	v44 =	vmul.f32 $3.200000000e+01, v20;
	[tilespmem:s8+$0x50] =	vst v60  }
0x1b5: {  	v46 =	vand.u32 $0xFFFF0000, v8;
	v58 =	vmul.f32 $3.200000000e+01, v45;
	[tilespmem:s8+$0x20] =	vst v3;
	v3 =	vadd.f32 v54, v53  }
0x1b6: {  	s10 =	sshll.u32 s30, $0x14;
	v59 =	vshll.u32 v37, $0x10;
	[tilespmem:s8+$0x70] =	vst v63;
	v50 =	vadd.f32 v46, v44  }
0x1b7: {  	s0 =	sadd.s32 s5, s0;
	s10 =	sand.u32 $0x300000, s10;
	[tilespmem:s8+$0x40] =	vst v3;
	v3 =	vadd.f32 v59, v58  }
0x1b8: {  	s0 =	sshll.u32 s0, $0x7;
	s10 =	sadd.s32 s3, s10;
	[tilespmem:s8+$0x10] =	vst v50  }
0x1b9: {  	s29 =	simm.s32 $0x14400;
	s0 =	sadd.s32 s0, s10;
	[tilespmem:s8+$0x60] =	vst v3  }
0x1ba: {  	[hbm4b:s0+s4] =	stream.linear.scatter [tilespmem:s29], [sflag:$0x6], $0x8000, $0x38;
	[tilespmem:$0x1C400] =	vst v63  }
0x1bb: {  	s0 =	sand.u32 $0x3, s30  }
0x1bc: {  	p1 =	sne.s32 @!p0 s0, $0x3  }
0x1bd: {  	p0 =	por p1, p0  }
0x1be: {  	s0 =	sand.u32 @!p0 $0x3E0, s1  }
0x1bf: {  	s0 =	sadd.s32 @!p0 s5, s0  }
0x1c0: {  	s0 =	sshll.u32 @!p0 s0, $0x6  }
0x1c1: {  	s1 =	simm.s32 @!p0 $0x0;
	s8 =	simm.s32 @!p0 $0x400;
	s0 =	sadd.s32 @!p0 s7, s0  }
0x1c2: {  	[tilespmem:s8], [sflag:$0x7] =	stream.linear.gather @!p0 [hbm4b:s0+s1], $0x4000, $0x38;
	[tilespmem:$0x1C400] =	vst v63  }
.Ltmp10:
0x1c3: {  	_ = 	snop;
	(pc) =	sbr.rel .LBB2_2-.Ltmp10, $4  }
0x1c4: {  	s0 =	simm.s32 @!p0 $0x7  }
0x1c5: {  	_ =	swait.ge @!p0 [sflag:s0], $0x4000  }
0x1c6: {  	[sflag:s0] =	ssyncset.done @!p0 $0x0  }
0x1c7: {  	s6 =	sadd.s32 $0x1, s6;
	[sflag:s0] =	ssyncadd.s32 @!p0 $0xFFFFC000  }
.LBB2_17:
0x1c8: {  	_ =	sfence.sel $0x180000  }
0x1c9: {  	[bflag:$0x0] =	sbarrier.arrive $0xFFFF  }
0x1ca: {  	_ =	strace $0x90000047  }
0x1cb: {  	s0 =	stileid.u32;
	[bflag:$0x2] =	sbarrier.arrive $0xFFFF  }
0x1cc: {  	p0 =	sne.s32 s0, $0x0;
	s0 =	rddreg [dreg:$0x4]  }
0x1cd: {  	s0 =	sadd.s32 @!p0 $0x100000, s0  }
0x1ce: {  	[sflag:s0] =	ssyncadd.tile.s32 @!p0 $0x1;
	_ =	shalt  }
.Lfunc_end2:
_tile_overlayer_lowered:
.L_overlay_start_2:
0x1cf: {  	(tag) =	ssettag $0x2  }
0x1d0: {  	s0 =	rddreg [dreg:$0x0];
	s2 =	stileid.u32  }
0x1d1: {  	s1 =	rddreg [dreg:$0x1];
	p0 =	sne.s32 s2, $0x0  }
0x1d2: {  	s3 =	rddreg [dreg:$0x2];
	[bflag:$0x3] =	sbarrier.arrive $0xFFFF;
	s2 =	simm.s32 @!p0 $0x1C07  }
0x1d3: {  	[timem:s3], [sflag:s2] =	dma.local @!p0 [hbm:s0], s1  }
0x1d4: {  	s0 =	simm.s32 @!p0 $0x7  }
0x1d5: {  	_ =	swait.ge @!p0 [sflag:s0], s1  }
0x1d6: {  	s1 =	ssub.s32 @!p0 $0x0, s1;
	[sflag:s0] =	ssyncset.done @!p0 $0x0  }
0x1d7: {  	[sflag:s0] =	ssyncadd.s32 @!p0 s1  }
0x1d8: {  	[bflag:$0x3] =	sbarrier.arrive $0xFFFF  }
0x1d9: {  	_ =	shalt  }

</sc_bundles>
